<compile_context>
chip_gen: v7x
topology: tpu7x:2x2x1
jax: 0.10.2.dev20260603
libtpu: 0.0.44.dev20260713+nightly
codegen_flags: <defaults>
</compile_context>

<pallas_src>
import functools

import jax
import jax.numpy as jnp
from jax import lax
from jax.experimental import pallas as pl
from jax.experimental.pallas import tpu as pltpu
from jax.experimental.pallas import tpu_sc as plsc

_NC = 2
_NS = 16
_NW = _NC * _NS

_IDX_W = 128
_RPC = 4


def _norm_body(t_ref, o_ref):
    t = t_ref[...]
    y = jnp.maximum(t, 0.0)
    ss = jnp.sum(y * y, axis=-1, keepdims=True)
    nrm = jnp.maximum(jnp.sqrt(ss), 1e-12)
    o_ref[...] = y / nrm


def _normalize_table(table):
    v, d = table.shape
    blk = 2000
    assert v % blk == 0
    return pl.pallas_call(
        _norm_body,
        grid=(v // blk,),
        in_specs=[pl.BlockSpec((blk, d), lambda i: (i, 0))],
        out_specs=pl.BlockSpec((blk, d), lambda i: (i, 0)),
        out_shape=jax.ShapeDtypeStruct((v, d), jnp.float32),
    )(table)


_NBUF = 2


def _make_sc_gather(v, d, b):
    assert b % (_NW * _IDX_W * _RPC) == 0
    rows_per_w = b // (_NW * _IDX_W)
    n_chunks = rows_per_w // _RPC
    assert n_chunks % _NBUF == 0
    mesh = plsc.VectorSubcoreMesh(core_axis_name="c", subcore_axis_name="s")
    ck = _RPC * _IDX_W

    @functools.partial(
        pl.kernel,
        out_type=jax.ShapeDtypeStruct((b, d), jnp.float32),
        mesh=mesh,
        compiler_params=pltpu.CompilerParams(use_tc_tiling_on_sc=False),
        scratch_types=[
            [pltpu.VMEM((_RPC, _IDX_W), jnp.int32)] * _NBUF,
            [pltpu.VMEM((ck, d), jnp.float32)] * _NBUF,
            [pltpu.SemaphoreType.DMA] * (3 * _NBUF),
        ],
    )
    def gather_kernel(table_hbm, idx_hbm, out_hbm, idx_bufs, row_bufs, sems):
        isems, gsems, ssems = sems[:_NBUF], sems[_NBUF:2 * _NBUF], sems[2 * _NBUF:]
        wid = lax.axis_index("s") * _NC + lax.axis_index("c")
        row0 = wid * rows_per_w

        def idx_start(c, bi):
            pltpu.async_copy(
                idx_hbm.at[pl.ds(row0 + c * _RPC, _RPC)], idx_bufs[bi], isems[bi]
            )

        for bi in range(_NBUF):
            idx_start(bi, bi)

        @pl.loop(0, n_chunks, step=_NBUF)
        def _outer(g):
            for bi in range(_NBUF):
                c = g + bi

                @pl.when(c >= _NBUF)
                def _():
                    pltpu.make_async_copy(
                        row_bufs[bi], out_hbm.at[pl.ds(0, ck)], ssems[bi]
                    ).wait()

                pltpu.make_async_copy(
                    idx_hbm.at[pl.ds(0, _RPC)], idx_bufs[bi], isems[bi]
                ).wait()
                cps = [
                    pltpu.async_copy(
                        table_hbm.at[idx_bufs[bi].at[j]],
                        row_bufs[bi].at[pl.ds(j * _IDX_W, _IDX_W)],
                        gsems[bi],
                    )
                    for j in range(_RPC)
                ]
                for cp in cps:
                    cp.wait()

                @pl.when(c + _NBUF < n_chunks)
                def _():
                    idx_start(c + _NBUF, bi)

                pltpu.async_copy(
                    row_bufs[bi],
                    out_hbm.at[pl.ds((row0 + c * _RPC) * _IDX_W, ck)],
                    ssems[bi],
                )

        for bi in range(_NBUF):
            pltpu.make_async_copy(
                row_bufs[bi], out_hbm.at[pl.ds(0, ck)], ssems[bi]
            ).wait()

    return gather_kernel


def kernel(x, table):
    bsz, f = x.shape
    v, d = table.shape
    b = bsz * f
    table2 = _normalize_table(table)
    idx2d = x.reshape(b // _IDX_W, _IDX_W).astype(jnp.int32)
    out_flat = _make_sc_gather(v, d, b)(table2, idx2d)
    return out_flat.reshape(bsz, f, d)

# --- scband reference (transcript-rebuilt; emitter-appended) ---
"""Pipeline reference for scband-psycho-43215960932888 (READ-ONLY COPY).

The authoritative reference and input builder live on the scoring server;
editing this copy changes nothing except your own understanding.
"""

import jax, jax.numpy as jnp
import numpy as np

N_INSTANCES = 100000
N_BITS = 64

def setup_inputs(seed: int = 0) -> dict:
    key = jax.random.key(seed)
    k1, k2 = jax.random.split(key)
    x = jax.random.randint(k1, (16384, 26), 0, N_INSTANCES, dtype=jnp.int64 if jax.config.jax_enable_x64 else jnp.int32)
    # Embedding table (nn.Embedding default init: N(0, 1))
    table = jax.random.normal(k2, (N_INSTANCES, N_BITS), dtype=jnp.float32)
    return {"x": x, "table": table}

def reference(x, table):
    emb = jnp.take(table, x, axis=0)              # gather: [B, F, n_bits]
    emb = jax.nn.relu(emb)                        # F.relu
    # F.normalize(x, dim=-1): x / max(||x||_2, eps), eps=1e-12
    norm = jnp.linalg.norm(emb, ord=2, axis=-1, keepdims=True)
    emb = emb / jnp.maximum(norm, 1e-12)
    return emb

if __name__ == "__main__":
    import jax
    _d = setup_inputs()
    print(jax.jit(kernel)(*tuple(_d.values())))

</pallas_src>

<mosaic_0001>
#map = affine_map<(d0, d1) -> (0, 0)>
module attributes {stable_mosaic.version = 14 : i64} {
  func.func @gather_kernel(%arg0: i32, %arg1: i32, %arg2: memref<100000x64xf32, #tpu.memory_space<hbm>>, %arg3: memref<3328x128xi32, #tpu.memory_space<hbm>>, %arg4: memref<425984x64xf32, #tpu.memory_space<hbm>>, %arg5: memref<4x128xi32, #tpu.memory_space<vmem>>, %arg6: memref<4x128xi32, #tpu.memory_space<vmem>>, %arg7: memref<512x64xf32, #tpu.memory_space<vmem>>, %arg8: memref<512x64xf32, #tpu.memory_space<vmem>>, %arg9: memref<!tpu.dma_semaphore, #tpu.memory_space<semaphore_mem>>, %arg10: memref<!tpu.dma_semaphore, #tpu.memory_space<semaphore_mem>>, %arg11: memref<!tpu.dma_semaphore, #tpu.memory_space<semaphore_mem>>, %arg12: memref<!tpu.dma_semaphore, #tpu.memory_space<semaphore_mem>>, %arg13: memref<!tpu.dma_semaphore, #tpu.memory_space<semaphore_mem>>, %arg14: memref<!tpu.dma_semaphore, #tpu.memory_space<semaphore_mem>>) attributes {dimension_semantics = [#tpu.dimension_semantics<core_parallel>, #tpu.dimension_semantics<subcore_parallel>], iteration_bounds = array<i64: 2, 16>, scalar_prefetch = 0 : i64, scratch_operands = 10 : i64, tpu.core_type = #tpu.core_type<sc_vector_subcore>, window_params = [{transform_indices = #map}, {transform_indices = #map}, {transform_indices = #map}]} {
    %mul3A = arith.constant 2 : i32
    %mul3A_0 = arith.muli %arg1, %mul3A : i32
    %add3A = arith.addi %mul3A_0, %arg0 : i32
    %mul3A_1 = arith.constant 104 : i32
    %mul3A_2 = arith.muli %add3A, %mul3A_1 : i32
    %add3A_3 = arith.constant 0 : i32
    %add3A_4 = arith.addi %mul3A_2, %add3A_3 : i32
    %dma_start3A = arith.constant 0 : i32
    %dma_start3A_5 = tpu.memref_slice %arg3[%add3A_4, %dma_start3A] : memref<3328x128xi32, #tpu.memory_space<hbm>> -> memref<4x128xi32, #tpu.memory_space<hbm>>
    %dma_start3A_6 = arith.constant 0 : i32
    %dma_start3A_7 = tpu.memref_slice %arg3[%add3A_4, %dma_start3A_6] : memref<3328x128xi32, #tpu.memory_space<hbm>> -> memref<4x128xi32, #tpu.memory_space<hbm>>
    tpu.enqueue_dma source(%dma_start3A_7 : memref<4x128xi32, #tpu.memory_space<hbm>>) target(%arg5 : memref<4x128xi32, #tpu.memory_space<vmem>>) target_semaphore(%arg9 : memref<!tpu.dma_semaphore, #tpu.memory_space<semaphore_mem>>)
    %add3A_8 = arith.constant 4 : i32
    %add3A_9 = arith.addi %mul3A_2, %add3A_8 : i32
    %dma_start3A_10 = arith.constant 0 : i32
    %dma_start3A_11 = tpu.memref_slice %arg3[%add3A_9, %dma_start3A_10] : memref<3328x128xi32, #tpu.memory_space<hbm>> -> memref<4x128xi32, #tpu.memory_space<hbm>>
    %dma_start3A_12 = arith.constant 0 : i32
    %dma_start3A_13 = tpu.memref_slice %arg3[%add3A_9, %dma_start3A_12] : memref<3328x128xi32, #tpu.memory_space<hbm>> -> memref<4x128xi32, #tpu.memory_space<hbm>>
    tpu.enqueue_dma source(%dma_start3A_13 : memref<4x128xi32, #tpu.memory_space<hbm>>) target(%arg6 : memref<4x128xi32, #tpu.memory_space<vmem>>) target_semaphore(%arg10 : memref<!tpu.dma_semaphore, #tpu.memory_space<semaphore_mem>>)
    %scan3A = arith.constant 0 : i32
    %scan3A_14 = arith.constant 13 : i32
    %scan3A_15 = arith.addi %scan3A, %scan3A_14 : i32
    %scan3A_16 = arith.constant 1 : i32
    scf.for %scan3A_29 = %scan3A to %scan3A_15 step %scan3A_16  : i32 {
      %mul3A_30 = arith.constant 2 : i32
      %mul3A_31 = arith.muli %scan3A_29, %mul3A_30 : i32
      %add3A_32 = arith.constant 0 : i32
      %add3A_33 = arith.addi %add3A_32, %mul3A_31 : i32
      %add3A_34 = arith.constant 0 : i32
      %add3A_35 = arith.addi %add3A_33, %add3A_34 : i32
      %ge3A = arith.constant 2 : i32
      %ge3A_36 = arith.cmpi sge, %add3A_35, %ge3A : i32
      %convert_element_type3A = arith.extui %ge3A_36 : i1 to i32
      %cond3A = arith.constant 0 : i32
      %cond3A_37 = arith.cmpi ne, %convert_element_type3A, %cond3A : i32
      scf.if %cond3A_37 {
        %dma_wait3A_248 = arith.constant 0 : i32
        %dma_wait3A_249 = arith.constant 0 : i32
        %dma_wait3A_250 = tpu.memref_slice %arg4[%dma_wait3A_248, %dma_wait3A_249] : memref<425984x64xf32, #tpu.memory_space<hbm>> -> memref<512x64xf32, #tpu.memory_space<hbm>>
        %dma_wait3A_251 = arith.constant 0 : i32
        %dma_wait3A_252 = arith.constant 0 : i32
        %dma_wait3A_253 = tpu.memref_slice %arg4[%dma_wait3A_251, %dma_wait3A_252] : memref<425984x64xf32, #tpu.memory_space<hbm>> -> memref<512x64xf32, #tpu.memory_space<hbm>>
        tpu.wait_dma2 semaphore(%arg13 : memref<!tpu.dma_semaphore, #tpu.memory_space<semaphore_mem>>) src(%arg7 : memref<512x64xf32, #tpu.memory_space<vmem>>) dst(%dma_wait3A_253 : memref<512x64xf32, #tpu.memory_space<hbm>>)
      } else {
      }
      %dma_wait3A_38 = arith.constant 0 : i32
      %dma_wait3A_39 = arith.constant 0 : i32
      %dma_wait3A_40 = tpu.memref_slice %arg3[%dma_wait3A_38, %dma_wait3A_39] : memref<3328x128xi32, #tpu.memory_space<hbm>> -> memref<4x128xi32, #tpu.memory_space<hbm>>
      %dma_wait3A_41 = arith.constant 0 : i32
      %dma_wait3A_42 = arith.constant 0 : i32
      %dma_wait3A_43 = tpu.memref_slice %arg3[%dma_wait3A_41, %dma_wait3A_42] : memref<3328x128xi32, #tpu.memory_space<hbm>> -> memref<4x128xi32, #tpu.memory_space<hbm>>
      tpu.wait_dma2 semaphore(%arg9 : memref<!tpu.dma_semaphore, #tpu.memory_space<semaphore_mem>>) src(%dma_wait3A_43 : memref<4x128xi32, #tpu.memory_space<hbm>>) dst(%arg5 : memref<4x128xi32, #tpu.memory_space<vmem>>)
      %dma_start3A_44 = arith.constant 0 : i32
      %dma_start3A_45 = arith.constant 0 : i32
      %dma_start3A_46 = arith.constant 0 : i32
      %dma_start3A_47 = tpu.memref_slice %arg7[%dma_start3A_45, %dma_start3A_46] : memref<512x64xf32, #tpu.memory_space<vmem>> -> memref<128x64xf32, #tpu.memory_space<vmem>>
      %dma_start3A_48 = arith.constant 0 : i32
      %dma_start3A_49 = tpu.memref_slice %arg5[%dma_start3A_44, %dma_start3A_48] : memref<4x128xi32, #tpu.memory_space<vmem>> -> memref<1x128xi32, #tpu.memory_space<vmem>>
      %dma_start3A_50 = tpu.memref_squeeze %dma_start3A_49 : memref<1x128xi32, #tpu.memory_space<vmem>> -> memref<128xi32, #tpu.memory_space<vmem>>
      %dma_start3A_51 = arith.constant 0 : i32
      %dma_start3A_52 = arith.constant 0 : i32
      %dma_start3A_53 = tpu.memref_slice %arg2[%dma_start3A_51, %dma_start3A_52] : memref<100000x64xf32, #tpu.memory_space<hbm>> -> memref<100000x64xf32, #tpu.memory_space<hbm>>
      tpu.enqueue_indirect_dma source(%dma_start3A_53 : memref<100000x64xf32, #tpu.memory_space<hbm>>) target(%dma_start3A_47 : memref<128x64xf32, #tpu.memory_space<vmem>>) offsets(%dma_start3A_50 : memref<128xi32, #tpu.memory_space<vmem>>) semaphore(%arg11 : memref<!tpu.dma_semaphore, #tpu.memory_space<semaphore_mem>>)
      %dma_start3A_54 = arith.constant 1 : i32
      %dma_start3A_55 = arith.constant 128 : i32
      %dma_start3A_56 = arith.constant 0 : i32
      %dma_start3A_57 = tpu.memref_slice %arg7[%dma_start3A_55, %dma_start3A_56] : memref<512x64xf32, #tpu.memory_space<vmem>> -> memref<128x64xf32, #tpu.memory_space<vmem>>
      %dma_start3A_58 = arith.constant 0 : i32
      %dma_start3A_59 = tpu.memref_slice %arg5[%dma_start3A_54, %dma_start3A_58] : memref<4x128xi32, #tpu.memory_space<vmem>> -> memref<1x128xi32, #tpu.memory_space<vmem>>
      %dma_start3A_60 = tpu.memref_squeeze %dma_start3A_59 : memref<1x128xi32, #tpu.memory_space<vmem>> -> memref<128xi32, #tpu.memory_space<vmem>>
      %dma_start3A_61 = arith.constant 0 : i32
      %dma_start3A_62 = arith.constant 0 : i32
      %dma_start3A_63 = tpu.memref_slice %arg2[%dma_start3A_61, %dma_start3A_62] : memref<100000x64xf32, #tpu.memory_space<hbm>> -> memref<100000x64xf32, #tpu.memory_space<hbm>>
      tpu.enqueue_indirect_dma source(%dma_start3A_63 : memref<100000x64xf32, #tpu.memory_space<hbm>>) target(%dma_start3A_57 : memref<128x64xf32, #tpu.memory_space<vmem>>) offsets(%dma_start3A_60 : memref<128xi32, #tpu.memory_space<vmem>>) semaphore(%arg11 : memref<!tpu.dma_semaphore, #tpu.memory_space<semaphore_mem>>)
      %dma_start3A_64 = arith.constant 2 : i32
      %dma_start3A_65 = arith.constant 256 : i32
      %dma_start3A_66 = arith.constant 0 : i32
      %dma_start3A_67 = tpu.memref_slice %arg7[%dma_start3A_65, %dma_start3A_66] : memref<512x64xf32, #tpu.memory_space<vmem>> -> memref<128x64xf32, #tpu.memory_space<vmem>>
      %dma_start3A_68 = arith.constant 0 : i32
      %dma_start3A_69 = tpu.memref_slice %arg5[%dma_start3A_64, %dma_start3A_68] : memref<4x128xi32, #tpu.memory_space<vmem>> -> memref<1x128xi32, #tpu.memory_space<vmem>>
      %dma_start3A_70 = tpu.memref_squeeze %dma_start3A_69 : memref<1x128xi32, #tpu.memory_space<vmem>> -> memref<128xi32, #tpu.memory_space<vmem>>
      %dma_start3A_71 = arith.constant 0 : i32
      %dma_start3A_72 = arith.constant 0 : i32
      %dma_start3A_73 = tpu.memref_slice %arg2[%dma_start3A_71, %dma_start3A_72] : memref<100000x64xf32, #tpu.memory_space<hbm>> -> memref<100000x64xf32, #tpu.memory_space<hbm>>
      tpu.enqueue_indirect_dma source(%dma_start3A_73 : memref<100000x64xf32, #tpu.memory_space<hbm>>) target(%dma_start3A_67 : memref<128x64xf32, #tpu.memory_space<vmem>>) offsets(%dma_start3A_70 : memref<128xi32, #tpu.memory_space<vmem>>) semaphore(%arg11 : memref<!tpu.dma_semaphore, #tpu.memory_space<semaphore_mem>>)
      %dma_start3A_74 = arith.constant 3 : i32
      %dma_start3A_75 = arith.constant 384 : i32
      %dma_start3A_76 = arith.constant 0 : i32
      %dma_start3A_77 = tpu.memref_slice %arg7[%dma_start3A_75, %dma_start3A_76] : memref<512x64xf32, #tpu.memory_space<vmem>> -> memref<128x64xf32, #tpu.memory_space<vmem>>
      %dma_start3A_78 = arith.constant 0 : i32
      %dma_start3A_79 = tpu.memref_slice %arg5[%dma_start3A_74, %dma_start3A_78] : memref<4x128xi32, #tpu.memory_space<vmem>> -> memref<1x128xi32, #tpu.memory_space<vmem>>
      %dma_start3A_80 = tpu.memref_squeeze %dma_start3A_79 : memref<1x128xi32, #tpu.memory_space<vmem>> -> memref<128xi32, #tpu.memory_space<vmem>>
      %dma_start3A_81 = arith.constant 0 : i32
      %dma_start3A_82 = arith.constant 0 : i32
      %dma_start3A_83 = tpu.memref_slice %arg2[%dma_start3A_81, %dma_start3A_82] : memref<100000x64xf32, #tpu.memory_space<hbm>> -> memref<100000x64xf32, #tpu.memory_space<hbm>>
      tpu.enqueue_indirect_dma source(%dma_start3A_83 : memref<100000x64xf32, #tpu.memory_space<hbm>>) target(%dma_start3A_77 : memref<128x64xf32, #tpu.memory_space<vmem>>) offsets(%dma_start3A_80 : memref<128xi32, #tpu.memory_space<vmem>>) semaphore(%arg11 : memref<!tpu.dma_semaphore, #tpu.memory_space<semaphore_mem>>)
      %dma_wait3A_84 = arith.constant 0 : i32
      %dma_wait3A_85 = arith.constant 0 : i32
      %dma_wait3A_86 = arith.constant 0 : i32
      %dma_wait3A_87 = tpu.memref_slice %arg7[%dma_wait3A_85, %dma_wait3A_86] : memref<512x64xf32, #tpu.memory_space<vmem>> -> memref<128x64xf32, #tpu.memory_space<vmem>>
      %dma_wait3A_88 = arith.constant 0 : i32
      %dma_wait3A_89 = tpu.memref_slice %arg5[%dma_wait3A_84, %dma_wait3A_88] : memref<4x128xi32, #tpu.memory_space<vmem>> -> memref<1x128xi32, #tpu.memory_space<vmem>>
      %dma_wait3A_90 = tpu.memref_squeeze %dma_wait3A_89 : memref<1x128xi32, #tpu.memory_space<vmem>> -> memref<128xi32, #tpu.memory_space<vmem>>
      %dma_wait3A_91 = arith.constant 0 : i32
      %dma_wait3A_92 = arith.constant 0 : i32
      %dma_wait3A_93 = tpu.memref_slice %arg2[%dma_wait3A_91, %dma_wait3A_92] : memref<100000x64xf32, #tpu.memory_space<hbm>> -> memref<100000x64xf32, #tpu.memory_space<hbm>>
      tpu.wait_indirect_dma semaphore(%arg11 : memref<!tpu.dma_semaphore, #tpu.memory_space<semaphore_mem>>) src(%dma_wait3A_93 : memref<100000x64xf32, #tpu.memory_space<hbm>>) dst(%dma_wait3A_87 : memref<128x64xf32, #tpu.memory_space<vmem>>)
      %dma_wait3A_94 = arith.constant 1 : i32
      %dma_wait3A_95 = arith.constant 128 : i32
      %dma_wait3A_96 = arith.constant 0 : i32
      %dma_wait3A_97 = tpu.memref_slice %arg7[%dma_wait3A_95, %dma_wait3A_96] : memref<512x64xf32, #tpu.memory_space<vmem>> -> memref<128x64xf32, #tpu.memory_space<vmem>>
      %dma_wait3A_98 = arith.constant 0 : i32
      %dma_wait3A_99 = tpu.memref_slice %arg5[%dma_wait3A_94, %dma_wait3A_98] : memref<4x128xi32, #tpu.memory_space<vmem>> -> memref<1x128xi32, #tpu.memory_space<vmem>>
      %dma_wait3A_100 = tpu.memref_squeeze %dma_wait3A_99 : memref<1x128xi32, #tpu.memory_space<vmem>> -> memref<128xi32, #tpu.memory_space<vmem>>
      %dma_wait3A_101 = arith.constant 0 : i32
      %dma_wait3A_102 = arith.constant 0 : i32
      %dma_wait3A_103 = tpu.memref_slice %arg2[%dma_wait3A_101, %dma_wait3A_102] : memref<100000x64xf32, #tpu.memory_space<hbm>> -> memref<100000x64xf32, #tpu.memory_space<hbm>>
      tpu.wait_indirect_dma semaphore(%arg11 : memref<!tpu.dma_semaphore, #tpu.memory_space<semaphore_mem>>) src(%dma_wait3A_103 : memref<100000x64xf32, #tpu.memory_space<hbm>>) dst(%dma_wait3A_97 : memref<128x64xf32, #tpu.memory_space<vmem>>)
      %dma_wait3A_104 = arith.constant 2 : i32
      %dma_wait3A_105 = arith.constant 256 : i32
      %dma_wait3A_106 = arith.constant 0 : i32
      %dma_wait3A_107 = tpu.memref_slice %arg7[%dma_wait3A_105, %dma_wait3A_106] : memref<512x64xf32, #tpu.memory_space<vmem>> -> memref<128x64xf32, #tpu.memory_space<vmem>>
      %dma_wait3A_108 = arith.constant 0 : i32
      %dma_wait3A_109 = tpu.memref_slice %arg5[%dma_wait3A_104, %dma_wait3A_108] : memref<4x128xi32, #tpu.memory_space<vmem>> -> memref<1x128xi32, #tpu.memory_space<vmem>>
      %dma_wait3A_110 = tpu.memref_squeeze %dma_wait3A_109 : memref<1x128xi32, #tpu.memory_space<vmem>> -> memref<128xi32, #tpu.memory_space<vmem>>
      %dma_wait3A_111 = arith.constant 0 : i32
      %dma_wait3A_112 = arith.constant 0 : i32
      %dma_wait3A_113 = tpu.memref_slice %arg2[%dma_wait3A_111, %dma_wait3A_112] : memref<100000x64xf32, #tpu.memory_space<hbm>> -> memref<100000x64xf32, #tpu.memory_space<hbm>>
      tpu.wait_indirect_dma semaphore(%arg11 : memref<!tpu.dma_semaphore, #tpu.memory_space<semaphore_mem>>) src(%dma_wait3A_113 : memref<100000x64xf32, #tpu.memory_space<hbm>>) dst(%dma_wait3A_107 : memref<128x64xf32, #tpu.memory_space<vmem>>)
      %dma_wait3A_114 = arith.constant 3 : i32
      %dma_wait3A_115 = arith.constant 384 : i32
      %dma_wait3A_116 = arith.constant 0 : i32
      %dma_wait3A_117 = tpu.memref_slice %arg7[%dma_wait3A_115, %dma_wait3A_116] : memref<512x64xf32, #tpu.memory_space<vmem>> -> memref<128x64xf32, #tpu.memory_space<vmem>>
      %dma_wait3A_118 = arith.constant 0 : i32
      %dma_wait3A_119 = tpu.memref_slice %arg5[%dma_wait3A_114, %dma_wait3A_118] : memref<4x128xi32, #tpu.memory_space<vmem>> -> memref<1x128xi32, #tpu.memory_space<vmem>>
      %dma_wait3A_120 = tpu.memref_squeeze %dma_wait3A_119 : memref<1x128xi32, #tpu.memory_space<vmem>> -> memref<128xi32, #tpu.memory_space<vmem>>
      %dma_wait3A_121 = arith.constant 0 : i32
      %dma_wait3A_122 = arith.constant 0 : i32
      %dma_wait3A_123 = tpu.memref_slice %arg2[%dma_wait3A_121, %dma_wait3A_122] : memref<100000x64xf32, #tpu.memory_space<hbm>> -> memref<100000x64xf32, #tpu.memory_space<hbm>>
      tpu.wait_indirect_dma semaphore(%arg11 : memref<!tpu.dma_semaphore, #tpu.memory_space<semaphore_mem>>) src(%dma_wait3A_123 : memref<100000x64xf32, #tpu.memory_space<hbm>>) dst(%dma_wait3A_117 : memref<128x64xf32, #tpu.memory_space<vmem>>)
      %add3A_124 = arith.constant 2 : i32
      %add3A_125 = arith.addi %add3A_35, %add3A_124 : i32
      %lt3A = arith.constant 26 : i32
      %lt3A_126 = arith.cmpi slt, %add3A_125, %lt3A : i32
      %convert_element_type3A_127 = arith.extui %lt3A_126 : i1 to i32
      %cond3A_128 = arith.constant 0 : i32
      %cond3A_129 = arith.cmpi ne, %convert_element_type3A_127, %cond3A_128 : i32
      scf.if %cond3A_129 {
        %add3A_248 = arith.constant 2 : i32
        %add3A_249 = arith.addi %add3A_35, %add3A_248 : i32
        %mul3A_250 = arith.constant 4 : i32
        %mul3A_251 = arith.muli %add3A_249, %mul3A_250 : i32
        %add3A_252 = arith.addi %mul3A_2, %mul3A_251 : i32
        %dma_start3A_253 = arith.constant 0 : i32
        %dma_start3A_254 = tpu.memref_slice %arg3[%add3A_252, %dma_start3A_253] : memref<3328x128xi32, #tpu.memory_space<hbm>> -> memref<4x128xi32, #tpu.memory_space<hbm>>
        %dma_start3A_255 = arith.constant 0 : i32
        %dma_start3A_256 = tpu.memref_slice %arg3[%add3A_252, %dma_start3A_255] : memref<3328x128xi32, #tpu.memory_space<hbm>> -> memref<4x128xi32, #tpu.memory_space<hbm>>
        tpu.enqueue_dma source(%dma_start3A_256 : memref<4x128xi32, #tpu.memory_space<hbm>>) target(%arg5 : memref<4x128xi32, #tpu.memory_space<vmem>>) target_semaphore(%arg9 : memref<!tpu.dma_semaphore, #tpu.memory_space<semaphore_mem>>)
      } else {
      }
      %mul3A_130 = arith.constant 4 : i32
      %mul3A_131 = arith.muli %add3A_35, %mul3A_130 : i32
      %add3A_132 = arith.addi %mul3A_2, %mul3A_131 : i32
      %mul3A_133 = arith.constant 128 : i32
      %mul3A_134 = arith.muli %add3A_132, %mul3A_133 : i32
      %dma_start3A_135 = arith.constant 0 : i32
      %dma_start3A_136 = tpu.memref_slice %arg4[%mul3A_134, %dma_start3A_135] : memref<425984x64xf32, #tpu.memory_space<hbm>> -> memref<512x64xf32, #tpu.memory_space<hbm>>
      %dma_start3A_137 = arith.constant 0 : i32
      %dma_start3A_138 = tpu.memref_slice %arg4[%mul3A_134, %dma_start3A_137] : memref<425984x64xf32, #tpu.memory_space<hbm>> -> memref<512x64xf32, #tpu.memory_space<hbm>>
      tpu.enqueue_dma source(%arg7 : memref<512x64xf32, #tpu.memory_space<vmem>>) target(%dma_start3A_138 : memref<512x64xf32, #tpu.memory_space<hbm>>) target_semaphore(%arg13 : memref<!tpu.dma_semaphore, #tpu.memory_space<semaphore_mem>>)
      %add3A_139 = arith.constant 1 : i32
      %add3A_140 = arith.addi %add3A_33, %add3A_139 : i32
      %ge3A_141 = arith.constant 2 : i32
      %ge3A_142 = arith.cmpi sge, %add3A_140, %ge3A_141 : i32
      %convert_element_type3A_143 = arith.extui %ge3A_142 : i1 to i32
      %cond3A_144 = arith.constant 0 : i32
      %cond3A_145 = arith.cmpi ne, %convert_element_type3A_143, %cond3A_144 : i32
      scf.if %cond3A_145 {
        %dma_wait3A_248 = arith.constant 0 : i32
        %dma_wait3A_249 = arith.constant 0 : i32
        %dma_wait3A_250 = tpu.memref_slice %arg4[%dma_wait3A_248, %dma_wait3A_249] : memref<425984x64xf32, #tpu.memory_space<hbm>> -> memref<512x64xf32, #tpu.memory_space<hbm>>
        %dma_wait3A_251 = arith.constant 0 : i32
        %dma_wait3A_252 = arith.constant 0 : i32
        %dma_wait3A_253 = tpu.memref_slice %arg4[%dma_wait3A_251, %dma_wait3A_252] : memref<425984x64xf32, #tpu.memory_space<hbm>> -> memref<512x64xf32, #tpu.memory_space<hbm>>
        tpu.wait_dma2 semaphore(%arg14 : memref<!tpu.dma_semaphore, #tpu.memory_space<semaphore_mem>>) src(%arg8 : memref<512x64xf32, #tpu.memory_space<vmem>>) dst(%dma_wait3A_253 : memref<512x64xf32, #tpu.memory_space<hbm>>)
      } else {
      }
      %dma_wait3A_146 = arith.constant 0 : i32
      %dma_wait3A_147 = arith.constant 0 : i32
      %dma_wait3A_148 = tpu.memref_slice %arg3[%dma_wait3A_146, %dma_wait3A_147] : memref<3328x128xi32, #tpu.memory_space<hbm>> -> memref<4x128xi32, #tpu.memory_space<hbm>>
      %dma_wait3A_149 = arith.constant 0 : i32
      %dma_wait3A_150 = arith.constant 0 : i32
      %dma_wait3A_151 = tpu.memref_slice %arg3[%dma_wait3A_149, %dma_wait3A_150] : memref<3328x128xi32, #tpu.memory_space<hbm>> -> memref<4x128xi32, #tpu.memory_space<hbm>>
      tpu.wait_dma2 semaphore(%arg10 : memref<!tpu.dma_semaphore, #tpu.memory_space<semaphore_mem>>) src(%dma_wait3A_151 : memref<4x128xi32, #tpu.memory_space<hbm>>) dst(%arg6 : memref<4x128xi32, #tpu.memory_space<vmem>>)
      %dma_start3A_152 = arith.constant 0 : i32
      %dma_start3A_153 = arith.constant 0 : i32
      %dma_start3A_154 = arith.constant 0 : i32
      %dma_start3A_155 = tpu.memref_slice %arg8[%dma_start3A_153, %dma_start3A_154] : memref<512x64xf32, #tpu.memory_space<vmem>> -> memref<128x64xf32, #tpu.memory_space<vmem>>
      %dma_start3A_156 = arith.constant 0 : i32
      %dma_start3A_157 = tpu.memref_slice %arg6[%dma_start3A_152, %dma_start3A_156] : memref<4x128xi32, #tpu.memory_space<vmem>> -> memref<1x128xi32, #tpu.memory_space<vmem>>
      %dma_start3A_158 = tpu.memref_squeeze %dma_start3A_157 : memref<1x128xi32, #tpu.memory_space<vmem>> -> memref<128xi32, #tpu.memory_space<vmem>>
      %dma_start3A_159 = arith.constant 0 : i32
      %dma_start3A_160 = arith.constant 0 : i32
      %dma_start3A_161 = tpu.memref_slice %arg2[%dma_start3A_159, %dma_start3A_160] : memref<100000x64xf32, #tpu.memory_space<hbm>> -> memref<100000x64xf32, #tpu.memory_space<hbm>>
      tpu.enqueue_indirect_dma source(%dma_start3A_161 : memref<100000x64xf32, #tpu.memory_space<hbm>>) target(%dma_start3A_155 : memref<128x64xf32, #tpu.memory_space<vmem>>) offsets(%dma_start3A_158 : memref<128xi32, #tpu.memory_space<vmem>>) semaphore(%arg12 : memref<!tpu.dma_semaphore, #tpu.memory_space<semaphore_mem>>)
      %dma_start3A_162 = arith.constant 1 : i32
      %dma_start3A_163 = arith.constant 128 : i32
      %dma_start3A_164 = arith.constant 0 : i32
      %dma_start3A_165 = tpu.memref_slice %arg8[%dma_start3A_163, %dma_start3A_164] : memref<512x64xf32, #tpu.memory_space<vmem>> -> memref<128x64xf32, #tpu.memory_space<vmem>>
      %dma_start3A_166 = arith.constant 0 : i32
      %dma_start3A_167 = tpu.memref_slice %arg6[%dma_start3A_162, %dma_start3A_166] : memref<4x128xi32, #tpu.memory_space<vmem>> -> memref<1x128xi32, #tpu.memory_space<vmem>>
      %dma_start3A_168 = tpu.memref_squeeze %dma_start3A_167 : memref<1x128xi32, #tpu.memory_space<vmem>> -> memref<128xi32, #tpu.memory_space<vmem>>
      %dma_start3A_169 = arith.constant 0 : i32
      %dma_start3A_170 = arith.constant 0 : i32
      %dma_start3A_171 = tpu.memref_slice %arg2[%dma_start3A_169, %dma_start3A_170] : memref<100000x64xf32, #tpu.memory_space<hbm>> -> memref<100000x64xf32, #tpu.memory_space<hbm>>
      tpu.enqueue_indirect_dma source(%dma_start3A_171 : memref<100000x64xf32, #tpu.memory_space<hbm>>) target(%dma_start3A_165 : memref<128x64xf32, #tpu.memory_space<vmem>>) offsets(%dma_start3A_168 : memref<128xi32, #tpu.memory_space<vmem>>) semaphore(%arg12 : memref<!tpu.dma_semaphore, #tpu.memory_space<semaphore_mem>>)
      %dma_start3A_172 = arith.constant 2 : i32
      %dma_start3A_173 = arith.constant 256 : i32
      %dma_start3A_174 = arith.constant 0 : i32
      %dma_start3A_175 = tpu.memref_slice %arg8[%dma_start3A_173, %dma_start3A_174] : memref<512x64xf32, #tpu.memory_space<vmem>> -> memref<128x64xf32, #tpu.memory_space<vmem>>
      %dma_start3A_176 = arith.constant 0 : i32
      %dma_start3A_177 = tpu.memref_slice %arg6[%dma_start3A_172, %dma_start3A_176] : memref<4x128xi32, #tpu.memory_space<vmem>> -> memref<1x128xi32, #tpu.memory_space<vmem>>
      %dma_start3A_178 = tpu.memref_squeeze %dma_start3A_177 : memref<1x128xi32, #tpu.memory_space<vmem>> -> memref<128xi32, #tpu.memory_space<vmem>>
      %dma_start3A_179 = arith.constant 0 : i32
      %dma_start3A_180 = arith.constant 0 : i32
      %dma_start3A_181 = tpu.memref_slice %arg2[%dma_start3A_179, %dma_start3A_180] : memref<100000x64xf32, #tpu.memory_space<hbm>> -> memref<100000x64xf32, #tpu.memory_space<hbm>>
      tpu.enqueue_indirect_dma source(%dma_start3A_181 : memref<100000x64xf32, #tpu.memory_space<hbm>>) target(%dma_start3A_175 : memref<128x64xf32, #tpu.memory_space<vmem>>) offsets(%dma_start3A_178 : memref<128xi32, #tpu.memory_space<vmem>>) semaphore(%arg12 : memref<!tpu.dma_semaphore, #tpu.memory_space<semaphore_mem>>)
      %dma_start3A_182 = arith.constant 3 : i32
      %dma_start3A_183 = arith.constant 384 : i32
      %dma_start3A_184 = arith.constant 0 : i32
      %dma_start3A_185 = tpu.memref_slice %arg8[%dma_start3A_183, %dma_start3A_184] : memref<512x64xf32, #tpu.memory_space<vmem>> -> memref<128x64xf32, #tpu.memory_space<vmem>>
      %dma_start3A_186 = arith.constant 0 : i32
      %dma_start3A_187 = tpu.memref_slice %arg6[%dma_start3A_182, %dma_start3A_186] : memref<4x128xi32, #tpu.memory_space<vmem>> -> memref<1x128xi32, #tpu.memory_space<vmem>>
      %dma_start3A_188 = tpu.memref_squeeze %dma_start3A_187 : memref<1x128xi32, #tpu.memory_space<vmem>> -> memref<128xi32, #tpu.memory_space<vmem>>
      %dma_start3A_189 = arith.constant 0 : i32
      %dma_start3A_190 = arith.constant 0 : i32
      %dma_start3A_191 = tpu.memref_slice %arg2[%dma_start3A_189, %dma_start3A_190] : memref<100000x64xf32, #tpu.memory_space<hbm>> -> memref<100000x64xf32, #tpu.memory_space<hbm>>
      tpu.enqueue_indirect_dma source(%dma_start3A_191 : memref<100000x64xf32, #tpu.memory_space<hbm>>) target(%dma_start3A_185 : memref<128x64xf32, #tpu.memory_space<vmem>>) offsets(%dma_start3A_188 : memref<128xi32, #tpu.memory_space<vmem>>) semaphore(%arg12 : memref<!tpu.dma_semaphore, #tpu.memory_space<semaphore_mem>>)
      %dma_wait3A_192 = arith.constant 0 : i32
      %dma_wait3A_193 = arith.constant 0 : i32
      %dma_wait3A_194 = arith.constant 0 : i32
      %dma_wait3A_195 = tpu.memref_slice %arg8[%dma_wait3A_193, %dma_wait3A_194] : memref<512x64xf32, #tpu.memory_space<vmem>> -> memref<128x64xf32, #tpu.memory_space<vmem>>
      %dma_wait3A_196 = arith.constant 0 : i32
      %dma_wait3A_197 = tpu.memref_slice %arg6[%dma_wait3A_192, %dma_wait3A_196] : memref<4x128xi32, #tpu.memory_space<vmem>> -> memref<1x128xi32, #tpu.memory_space<vmem>>
      %dma_wait3A_198 = tpu.memref_squeeze %dma_wait3A_197 : memref<1x128xi32, #tpu.memory_space<vmem>> -> memref<128xi32, #tpu.memory_space<vmem>>
      %dma_wait3A_199 = arith.constant 0 : i32
      %dma_wait3A_200 = arith.constant 0 : i32
      %dma_wait3A_201 = tpu.memref_slice %arg2[%dma_wait3A_199, %dma_wait3A_200] : memref<100000x64xf32, #tpu.memory_space<hbm>> -> memref<100000x64xf32, #tpu.memory_space<hbm>>
      tpu.wait_indirect_dma semaphore(%arg12 : memref<!tpu.dma_semaphore, #tpu.memory_space<semaphore_mem>>) src(%dma_wait3A_201 : memref<100000x64xf32, #tpu.memory_space<hbm>>) dst(%dma_wait3A_195 : memref<128x64xf32, #tpu.memory_space<vmem>>)
      %dma_wait3A_202 = arith.constant 1 : i32
      %dma_wait3A_203 = arith.constant 128 : i32
      %dma_wait3A_204 = arith.constant 0 : i32
      %dma_wait3A_205 = tpu.memref_slice %arg8[%dma_wait3A_203, %dma_wait3A_204] : memref<512x64xf32, #tpu.memory_space<vmem>> -> memref<128x64xf32, #tpu.memory_space<vmem>>
      %dma_wait3A_206 = arith.constant 0 : i32
      %dma_wait3A_207 = tpu.memref_slice %arg6[%dma_wait3A_202, %dma_wait3A_206] : memref<4x128xi32, #tpu.memory_space<vmem>> -> memref<1x128xi32, #tpu.memory_space<vmem>>
      %dma_wait3A_208 = tpu.memref_squeeze %dma_wait3A_207 : memref<1x128xi32, #tpu.memory_space<vmem>> -> memref<128xi32, #tpu.memory_space<vmem>>
      %dma_wait3A_209 = arith.constant 0 : i32
      %dma_wait3A_210 = arith.constant 0 : i32
      %dma_wait3A_211 = tpu.memref_slice %arg2[%dma_wait3A_209, %dma_wait3A_210] : memref<100000x64xf32, #tpu.memory_space<hbm>> -> memref<100000x64xf32, #tpu.memory_space<hbm>>
      tpu.wait_indirect_dma semaphore(%arg12 : memref<!tpu.dma_semaphore, #tpu.memory_space<semaphore_mem>>) src(%dma_wait3A_211 : memref<100000x64xf32, #tpu.memory_space<hbm>>) dst(%dma_wait3A_205 : memref<128x64xf32, #tpu.memory_space<vmem>>)
      %dma_wait3A_212 = arith.constant 2 : i32
      %dma_wait3A_213 = arith.constant 256 : i32
      %dma_wait3A_214 = arith.constant 0 : i32
      %dma_wait3A_215 = tpu.memref_slice %arg8[%dma_wait3A_213, %dma_wait3A_214] : memref<512x64xf32, #tpu.memory_space<vmem>> -> memref<128x64xf32, #tpu.memory_space<vmem>>
      %dma_wait3A_216 = arith.constant 0 : i32
      %dma_wait3A_217 = tpu.memref_slice %arg6[%dma_wait3A_212, %dma_wait3A_216] : memref<4x128xi32, #tpu.memory_space<vmem>> -> memref<1x128xi32, #tpu.memory_space<vmem>>
      %dma_wait3A_218 = tpu.memref_squeeze %dma_wait3A_217 : memref<1x128xi32, #tpu.memory_space<vmem>> -> memref<128xi32, #tpu.memory_space<vmem>>
      %dma_wait3A_219 = arith.constant 0 : i32
      %dma_wait3A_220 = arith.constant 0 : i32
      %dma_wait3A_221 = tpu.memref_slice %arg2[%dma_wait3A_219, %dma_wait3A_220] : memref<100000x64xf32, #tpu.memory_space<hbm>> -> memref<100000x64xf32, #tpu.memory_space<hbm>>
      tpu.wait_indirect_dma semaphore(%arg12 : memref<!tpu.dma_semaphore, #tpu.memory_space<semaphore_mem>>) src(%dma_wait3A_221 : memref<100000x64xf32, #tpu.memory_space<hbm>>) dst(%dma_wait3A_215 : memref<128x64xf32, #tpu.memory_space<vmem>>)
      %dma_wait3A_222 = arith.constant 3 : i32
      %dma_wait3A_223 = arith.constant 384 : i32
      %dma_wait3A_224 = arith.constant 0 : i32
      %dma_wait3A_225 = tpu.memref_slice %arg8[%dma_wait3A_223, %dma_wait3A_224] : memref<512x64xf32, #tpu.memory_space<vmem>> -> memref<128x64xf32, #tpu.memory_space<vmem>>
      %dma_wait3A_226 = arith.constant 0 : i32
      %dma_wait3A_227 = tpu.memref_slice %arg6[%dma_wait3A_222, %dma_wait3A_226] : memref<4x128xi32, #tpu.memory_space<vmem>> -> memref<1x128xi32, #tpu.memory_space<vmem>>
      %dma_wait3A_228 = tpu.memref_squeeze %dma_wait3A_227 : memref<1x128xi32, #tpu.memory_space<vmem>> -> memref<128xi32, #tpu.memory_space<vmem>>
      %dma_wait3A_229 = arith.constant 0 : i32
      %dma_wait3A_230 = arith.constant 0 : i32
      %dma_wait3A_231 = tpu.memref_slice %arg2[%dma_wait3A_229, %dma_wait3A_230] : memref<100000x64xf32, #tpu.memory_space<hbm>> -> memref<100000x64xf32, #tpu.memory_space<hbm>>
      tpu.wait_indirect_dma semaphore(%arg12 : memref<!tpu.dma_semaphore, #tpu.memory_space<semaphore_mem>>) src(%dma_wait3A_231 : memref<100000x64xf32, #tpu.memory_space<hbm>>) dst(%dma_wait3A_225 : memref<128x64xf32, #tpu.memory_space<vmem>>)
      %add3A_232 = arith.constant 2 : i32
      %add3A_233 = arith.addi %add3A_140, %add3A_232 : i32
      %lt3A_234 = arith.constant 26 : i32
      %lt3A_235 = arith.cmpi slt, %add3A_233, %lt3A_234 : i32
      %convert_element_type3A_236 = arith.extui %lt3A_235 : i1 to i32
      %cond3A_237 = arith.constant 0 : i32
      %cond3A_238 = arith.cmpi ne, %convert_element_type3A_236, %cond3A_237 : i32
      scf.if %cond3A_238 {
        %add3A_248 = arith.constant 2 : i32
        %add3A_249 = arith.addi %add3A_140, %add3A_248 : i32
        %mul3A_250 = arith.constant 4 : i32
        %mul3A_251 = arith.muli %add3A_249, %mul3A_250 : i32
        %add3A_252 = arith.addi %mul3A_2, %mul3A_251 : i32
        %dma_start3A_253 = arith.constant 0 : i32
        %dma_start3A_254 = tpu.memref_slice %arg3[%add3A_252, %dma_start3A_253] : memref<3328x128xi32, #tpu.memory_space<hbm>> -> memref<4x128xi32, #tpu.memory_space<hbm>>
        %dma_start3A_255 = arith.constant 0 : i32
        %dma_start3A_256 = tpu.memref_slice %arg3[%add3A_252, %dma_start3A_255] : memref<3328x128xi32, #tpu.memory_space<hbm>> -> memref<4x128xi32, #tpu.memory_space<hbm>>
        tpu.enqueue_dma source(%dma_start3A_256 : memref<4x128xi32, #tpu.memory_space<hbm>>) target(%arg6 : memref<4x128xi32, #tpu.memory_space<vmem>>) target_semaphore(%arg10 : memref<!tpu.dma_semaphore, #tpu.memory_space<semaphore_mem>>)
      } else {
      }
      %mul3A_239 = arith.constant 4 : i32
      %mul3A_240 = arith.muli %add3A_140, %mul3A_239 : i32
      %add3A_241 = arith.addi %mul3A_2, %mul3A_240 : i32
      %mul3A_242 = arith.constant 128 : i32
      %mul3A_243 = arith.muli %add3A_241, %mul3A_242 : i32
      %dma_start3A_244 = arith.constant 0 : i32
      %dma_start3A_245 = tpu.memref_slice %arg4[%mul3A_243, %dma_start3A_244] : memref<425984x64xf32, #tpu.memory_space<hbm>> -> memref<512x64xf32, #tpu.memory_space<hbm>>
      %dma_start3A_246 = arith.constant 0 : i32
      %dma_start3A_247 = tpu.memref_slice %arg4[%mul3A_243, %dma_start3A_246] : memref<425984x64xf32, #tpu.memory_space<hbm>> -> memref<512x64xf32, #tpu.memory_space<hbm>>
      tpu.enqueue_dma source(%arg8 : memref<512x64xf32, #tpu.memory_space<vmem>>) target(%dma_start3A_247 : memref<512x64xf32, #tpu.memory_space<hbm>>) target_semaphore(%arg14 : memref<!tpu.dma_semaphore, #tpu.memory_space<semaphore_mem>>)
    }
    %scan3A_17 = arith.constant 13 : i32
    %dma_wait3A = arith.constant 0 : i32
    %dma_wait3A_18 = arith.constant 0 : i32
    %dma_wait3A_19 = tpu.memref_slice %arg4[%dma_wait3A, %dma_wait3A_18] : memref<425984x64xf32, #tpu.memory_space<hbm>> -> memref<512x64xf32, #tpu.memory_space<hbm>>
    %dma_wait3A_20 = arith.constant 0 : i32
    %dma_wait3A_21 = arith.constant 0 : i32
    %dma_wait3A_22 = tpu.memref_slice %arg4[%dma_wait3A_20, %dma_wait3A_21] : memref<425984x64xf32, #tpu.memory_space<hbm>> -> memref<512x64xf32, #tpu.memory_space<hbm>>
    tpu.wait_dma2 semaphore(%arg13 : memref<!tpu.dma_semaphore, #tpu.memory_space<semaphore_mem>>) src(%arg7 : memref<512x64xf32, #tpu.memory_space<vmem>>) dst(%dma_wait3A_22 : memref<512x64xf32, #tpu.memory_space<hbm>>)
    %dma_wait3A_23 = arith.constant 0 : i32
    %dma_wait3A_24 = arith.constant 0 : i32
    %dma_wait3A_25 = tpu.memref_slice %arg4[%dma_wait3A_23, %dma_wait3A_24] : memref<425984x64xf32, #tpu.memory_space<hbm>> -> memref<512x64xf32, #tpu.memory_space<hbm>>
    %dma_wait3A_26 = arith.constant 0 : i32
    %dma_wait3A_27 = arith.constant 0 : i32
    %dma_wait3A_28 = tpu.memref_slice %arg4[%dma_wait3A_26, %dma_wait3A_27] : memref<425984x64xf32, #tpu.memory_space<hbm>> -> memref<512x64xf32, #tpu.memory_space<hbm>>
    tpu.wait_dma2 semaphore(%arg14 : memref<!tpu.dma_semaphore, #tpu.memory_space<semaphore_mem>>) src(%arg8 : memref<512x64xf32, #tpu.memory_space<vmem>>) dst(%dma_wait3A_28 : memref<512x64xf32, #tpu.memory_space<hbm>>)
    return
  }
}

module attributes {stable_mosaic.version = 14 : i64} {
  func.func @_norm_body(%arg0: i32, %arg1: memref<2000x64xf32, #tpu.memory_space<vmem>>, %arg2: memref<2000x64xf32, #tpu.memory_space<vmem>>) attributes {dimension_semantics = [#tpu.dimension_semantics<arbitrary>], iteration_bounds = array<i64: 50>, scalar_prefetch = 0 : i64, scratch_operands = 0 : i64, tpu.core_type = #tpu.core_type<tc>, window_params = [{transform_indices = @transform_0, window_bounds = array<i64: 2000, 64>}, {transform_indices = @transform_1, window_bounds = array<i64: 2000, 64>}]} {
    %get3A = arith.constant 0 : index
    %get3A_0 = arith.constant 0 : index
    %get3A_1 = vector.load %arg1[%get3A, %get3A_0] : memref<2000x64xf32, #tpu.memory_space<vmem>>, vector<2000x64xf32>
    %max3A = arith.constant 0.000000e+00 : f32
    %max3A_2 = vector.broadcast %max3A : f32 to vector<2000x64xf32>
    %max3A_3 = arith.maximumf %get3A_1, %max3A_2 : vector<2000x64xf32>
    %mul3A = arith.mulf %max3A_3, %max3A_3 : vector<2000x64xf32>
    %reduce_sum3A = arith.constant dense<0.000000e+00> : vector<2000xf32>
    %reduce_sum3A_4 = vector.multi_reduction <add>, %mul3A, %reduce_sum3A [1] : vector<2000x64xf32> to vector<2000xf32>
    %broadcast_in_dim3A = vector.shape_cast %reduce_sum3A_4 : vector<2000xf32> to vector<2000x1xf32>
    %sqrt3A = math.sqrt %broadcast_in_dim3A : vector<2000x1xf32>
    %max3A_5 = arith.constant 9.99999996E-13 : f32
    %max3A_6 = vector.broadcast %max3A_5 : f32 to vector<2000x1xf32>
    %max3A_7 = arith.maximumf %sqrt3A, %max3A_6 : vector<2000x1xf32>
    %div3A = vector.broadcast %max3A_7 : vector<2000x1xf32> to vector<2000x64xf32>
    %div3A_8 = arith.divf %max3A_3, %div3A : vector<2000x64xf32>
    %swap3A = arith.constant 0 : index
    %swap3A_9 = arith.constant 0 : index
    %swap3A_10 = vector.load %arg2[%swap3A, %swap3A_9] : memref<2000x64xf32, #tpu.memory_space<vmem>>, vector<2000x64xf32>
    tpu.vector_store %arg2[%swap3A, %swap3A_9], %div3A_8 {strides = array<i32>} : memref<2000x64xf32, #tpu.memory_space<vmem>>, vector<2000x64xf32>,
    return
  }
  func.func @transform_0(%arg0: i32) -> (i32, i32) {
    %c0_i32 = arith.constant 0 : i32
    %c0_i32_0 = arith.constant 0 : i32
    return %arg0, %c0_i32 : i32, i32
  }
  func.func @transform_1(%arg0: i32) -> (i32, i32) {
    %c0_i32 = arith.constant 0 : i32
    %c0_i32_0 = arith.constant 0 : i32
    return %arg0, %c0_i32 : i32, i32
  }
}

</mosaic_0001>

<sc_bundles>
// kernel: kernel.4.cloned.1.call-start
scs
__scs_entry_jumppad:
0x0: {  	(pc) =	sbr.rel $0x88, $3  }
0x1: {  	(tag) =	ssettag $0x0;
	lr =	simm.s32 $0x1  }
0x2: {  	[smem:$0x3F9F] =	sst lr;
	_ =	strace $0xD0000000  }
0x3: {  	_ = 	snop  }
0x4: {  	_ = 	snop  }
0x5: {  	_ = 	snop  }
0x6: {  	_ = 	snop  }
0x7: {  	_ = 	snop  }
__scs_overlays_trampoline_lowered:
0x8: {  	[smem:$0x3FAE] =	sst s0  }
0x9: {  	[smem:$0x3FAF] =	sst s1  }
0xa: {  	[smem:$0x3FB0] =	sst s2  }
0xb: {  	[smem:$0x3FB1] =	sst s3  }
0xc: {  	[smem:$0x3FB2] =	sst s4  }
0xd: {  	[smem:$0x3FB3] =	sst s5  }
0xe: {  	[smem:$0x3FB4] =	sst s6  }
0xf: {  	[smem:$0x3FB5] =	sst s7  }
0x10: {  	[smem:$0x3FB6] =	sst s8  }
0x11: {  	[smem:$0x3FB7] =	sst s9;
	s0 =	simm.s32 @!p0 $0x0  }
0x12: {  	s1 =	sld [smem:$0x3F9D];
	s0 =	simm.s32 @p0 $0x1  }
0x13: {  	[smem:$0x3FB8] =	sst s0;
	s0 =	simm.s32 @!p1 $0x0  }
0x14: {  	s2 =	sld [smem:$0x3F9C];
	s0 =	simm.s32 @p1 $0x1  }
0x15: {  	[smem:$0x3FB9] =	sst s0;
	s0 =	simm.s32 @!p2 $0x0  }
0x16: {  	s3 =	sld [smem:$0x3FDB];
	s0 =	simm.s32 @p2 $0x1  }
0x17: {  	s4 =	simm.s32 $0x1BF5;
	[smem:$0x3FBB] =	sst s0  }
0x18: {  	s0 =	sld [smem:$0x3F9E];
	_ =	swait.ge [sflag:s4], $0x0  }
0x19: {  	s7 =	sld [smem:$0x3F9F]  }
0x1a: {  	s8 =	sadd.s32 $0xFFFFE003, lr  }
0x1b: {  	s9 =	sadd.s32 $0xFFFFFEF7, lr;
	s5 =	simm.s32 $0xFFFFFFFF;
	p2 =	slt.u32 s8, $0xFFFFF086  }
0x1c: {  	p1 =	slt.u32 s9, $0xF7A;
	s5 =	simm.s32 @!p2 $0x0  }
0x1d: {  	s5 =	simm.s32 @p1 $0x1;
	p0 =	seq.s32 s7, s2  }
0x1e: {  	s7 =	smul.u32 @!p0 $0xF7A, s2;
	p2 =	seq.s32 @!p0 s5, $0x0  }
0x1f: {  	s9 =	smul.u32 $0xF7A, s1;
	s8 =	simm.s32 @!p0 $0x1BF5;
	p2 =	por !p2, p0  }
0x20: {  	[sflag:s8] =	ssyncset.s32 @!p0 $0xFFFFF086;
	s6 =	sadd.s32 @!p0 s3, s7;
	s7 =	simm.s32 @!p0 $0x108  }
0x21: {  	s3 =	sadd.s32 s3, s9;
	s6 =	sadd.s32 @!p0 $0x88, s6;
	s7 =	simm.s32 @p2 $0x1082  }
0x22: {  	[simem:s7], [sflag:s8] =	dma.local @!p0 [hbm:s6], $0xF7A  }
0x23: {  	s9 =	sor.u32 $0xD0000000, s2;
	s6 =	simm.s32 $0x108;
	_ =	swait.ge @!p0 [sflag:s8], $0x0  }
0x24: {  	s3 =	sadd.s32 $0x88, s3;
	s6 =	simm.s32 @!p1 $0x1082;
	[sflag:s4] =	ssyncset.s32 $0xFFFFF086  }
0x25: {  	[simem:s6], [sflag:s4] =	dma.local [hbm:s3], $0xF7A  }
0x26: {  	[smem:$0x3F9F] =	sst s1;
	(tag) =	ssettag s2;
	_ =	strace s9  }
0x27: {  	s1 =	sld [smem:$0x3FAF]  }
0x28: {  	s2 =	sld [smem:$0x3FB0]  }
0x29: {  	s4 =	sld [smem:$0x3FB2]  }
0x2a: {  	p0 =	seq.s32 s5, $0x0;
	s5 =	sld [smem:$0x3FB3]  }
0x2b: {  	s6 =	sld [smem:$0x3FB4]  }
0x2c: {  	s7 =	sld [smem:$0x3FB5]  }
0x2d: {  	s3 =	simm.s32 $0x108;
	s8 =	sld [smem:$0x3FB6]  }
0x2e: {  	s3 =	simm.s32 @!p0 $0x1082;
	s9 =	sld [smem:$0x3FB7]  }
0x2f: {  	lr =	sadd.s32 s0, s3;
	s0 =	sld [smem:$0x3FAE]  }
0x30: {  	s3 =	sld [smem:$0x3FB1]  }
0x31: {  	[smem:$0x3FBA] =	sst s10  }
0x32: {  	s10 =	sld [smem:$0x3FB8];
	_ =	sdelay $0x3  }
0x33: {  	p0 =	seq.s32 s10, $0x1;
	s10 =	sld [smem:$0x3FBA];
	_ =	sdelay $0x3  }
0x34: {  	[smem:$0x3FBA] =	sst s10  }
0x35: {  	s10 =	sld [smem:$0x3FB9];
	_ =	sdelay $0x3  }
0x36: {  	p1 =	seq.s32 s10, $0x1;
	s10 =	sld [smem:$0x3FBA];
	_ =	sdelay $0x3  }
0x37: {  	[smem:$0x3FBA] =	sst s10  }
0x38: {  	s10 =	sld [smem:$0x3FBB]  }
0x39: {  	_ = 	snop;
	(pc) =	sbr.ind lr, $3  }
0x3a: {  	_ = 	snop  }
0x3b: {  	_ = 	snop  }
0x3c: {  	p2 =	seq.s32 s10, $0x1;
	s10 =	sld [smem:$0x3FBA]  }
0x3d: {  	_ =	shalt  }
0x3e: {  	_ =	shalt  }
0x3f: {  	_ =	shalt  }
0x40: {  	_ =	shalt  }
0x41: {  	_ =	shalt  }
0x42: {  	_ =	shalt  }
0x43: {  	_ =	shalt  }
0x44: {  	_ =	shalt  }
0x45: {  	_ =	shalt  }
0x46: {  	_ =	shalt  }
0x47: {  	_ =	shalt  }
0x48: {  	_ =	shalt  }
0x49: {  	_ =	shalt  }
0x4a: {  	_ =	shalt  }
0x4b: {  	_ =	shalt  }
0x4c: {  	_ =	shalt  }
0x4d: {  	_ =	shalt  }
0x4e: {  	_ =	shalt  }
0x4f: {  	_ =	shalt  }
0x50: {  	_ =	shalt  }
0x51: {  	_ =	shalt  }
0x52: {  	_ =	shalt  }
0x53: {  	_ =	shalt  }
0x54: {  	_ =	shalt  }
0x55: {  	_ =	shalt  }
0x56: {  	_ =	shalt  }
0x57: {  	_ =	shalt  }
0x58: {  	_ =	shalt  }
0x59: {  	_ =	shalt  }
0x5a: {  	_ =	shalt  }
0x5b: {  	_ =	shalt  }
0x5c: {  	_ =	shalt  }
0x5d: {  	_ =	shalt  }
0x5e: {  	_ =	shalt  }
0x5f: {  	_ =	shalt  }
0x60: {  	_ =	shalt  }
0x61: {  	_ =	shalt  }
0x62: {  	_ =	shalt  }
0x63: {  	_ =	shalt  }
0x64: {  	_ =	shalt  }
0x65: {  	_ =	shalt  }
0x66: {  	_ =	shalt  }
0x67: {  	_ =	shalt  }
0x68: {  	_ =	shalt  }
0x69: {  	_ =	shalt  }
0x6a: {  	_ =	shalt  }
0x6b: {  	_ =	shalt  }
0x6c: {  	_ =	shalt  }
0x6d: {  	_ =	shalt  }
0x6e: {  	_ =	shalt  }
0x6f: {  	_ =	shalt  }
0x70: {  	_ =	shalt  }
0x71: {  	_ =	shalt  }
0x72: {  	_ =	shalt  }
0x73: {  	_ =	shalt  }
0x74: {  	_ =	shalt  }
0x75: {  	_ =	shalt  }
0x76: {  	_ =	shalt  }
0x77: {  	_ =	shalt  }
0x78: {  	_ =	shalt  }
0x79: {  	_ =	shalt  }
0x7a: {  	_ =	shalt  }
0x7b: {  	_ =	shalt  }
0x7c: {  	_ =	shalt  }
0x7d: {  	_ =	shalt  }
0x7e: {  	_ =	shalt  }
0x7f: {  	_ =	shalt  }
0x80: {  	_ =	shalt  }
0x81: {  	_ =	shalt  }
0x82: {  	_ =	shalt  }
0x83: {  	_ =	shalt  }
0x84: {  	_ =	shalt  }
0x85: {  	_ =	shalt  }
0x86: {  	_ =	shalt  }
0x87: {  	_ =	shalt  }
.Lfunc_end0:
.L_simem_size_0:
called_computation.1_lowered:
.L_overlay_start_0:
0x88: {  	s2 =	sld [smem:$0x3FD9]  }
0x89: {  	s3 =	sld [smem:$0x3FFE];
	_ =	sdelay $0x1  }
0x8a: {  	s1 =	srdreg.scid  }
0x8b: {  	s0 =	sand.u32 $0x1, s1  }
0x8c: {  	s17 =	sshll.u32 s0, $0xA;
	s2 =	sadd.s32 s3, s2  }
0x8d: {  	s2 =	sadd.s32 s2, s17  }
0x8e: {  	[smem:$0x3FC6] =	sst s2  }
0x8f: {  	_ = 	snop  }
0x90: {  	s2 =	sld [smem:$0x3FD0];
	(tm) =	ssettm $0x1  }
0x91: {  	s18 =	sld [smem:$0x3FFB];
	_ =	sdelay $0x3  }
0x92: {  	_ =	strace s18  }
0x93: {  	s3 =	sld [smem:$0x3FFC];
	_ =	sdelay $0x3  }
0x94: {  	_ =	strace s3  }
0x95: {  	s3 =	sld [smem:$0x3FFD];
	_ =	sdelay $0x3  }
0x96: {  	_ =	strace s3  }
0x97: {  	_ =	strace $0x8FFFFFFF  }
0x98: {  	s19 =	sld [smem:$0x3FDB];
	_ =	sdelay $0x1  }
0x99: {  	s4 =	simm.s32 $_scs_section_size  }
0x9a: {  	s5 =	simm.s32 $_size__tile_overlayer_lowered;
	s6 =	simm.s32 $_tile_overlayer_lowered  }
0x9b: {  	s22 =	simm.s32 $0x1BFF;
	s21 =	sshll.u32 s6, $0x1;
	s3 =	sadd.s32 s4, s19  }
0x9c: {  	s7 =	simm.s32 $0x0;
	s20 =	sshll.u32 s5, $0x1;
	s5 =	sadd.s32 s21, s3  }
0x9d: {  	[timem:s7], [sflag:s22] =	dma.local [hbm:s5], s20  }
0x9e: {  	_ =	swait.ge [sflag:s22], s20  }
0x9f: {  	s4 =	ssub.s32 $0x0, s20;
	[sflag:s22] =	ssyncset.done $0x0  }
0xa0: {  	[sflag:s22] =	ssyncadd.s32 s4;
	_ =	sdelay $0x1  }
0xa1: {  	s23 =	simm.s32 $0x1B8B  }
0xa2: {  	_ =	swait.ge [sflag:s23], $0x1  }
0xa3: {  	[sflag:s23] =	ssyncset.done $0x0  }
0xa4: {  	s25 =	simm.s32 $0x1B8E;
	s24 =	sld [smem:$0x3FFE];
	[sflag:s23] =	ssyncadd.s32 $0xFFFFFFFF  }
0xa5: {  	s26 =	simm.s32 $execute0_lowered;
	[smem:$0x3FD2] =	sst s25  }
0xa6: {  	s5 =	sshll.u32 s26, $0x1;
	_ =	strace $0x80000046;
	[dreg:$0x1] =	wrdreg $0xFFFFFFFF  }
0xa7: {  	s28 =	simm.s32 $_size_execute0_lowered;
	s3 =	sadd.s32 s3, s5;
	[dreg:$0x0] =	wrdreg $0x0  }
0xa8: {  	s5 =	sshll.u32 s28, $0x1;
	[dreg:$0x2] =	wrdreg s3  }
0xa9: {  	[dreg:$0x3] =	wrdreg s5  }
0xaa: {  	[dreg:$0x4] =	wrdreg $0xC0  }
0xab: {  	_ =	task [dreg:s7], $0x5FFFF  }
0xac: {  	[dreg:$0x1] =	wrdreg $0xFFFFFFFF  }
0xad: {  	[dreg:$0x0] =	wrdreg $0x60  }
0xae: {  	[dreg:$0x2] =	wrdreg s24  }
0xaf: {  	[dreg:$0x3] =	wrdreg s2  }
0xb0: {  	[dreg:$0x4] =	wrdreg $0x9  }
0xb1: {  	_ =	task.clear_ibuf [dreg:s7], $0x5FFFF;
	_ =	strace $0x90000046  }
0xb2: {  	s29 =	simm.s32 $0x9;
	_ =	strace $0x80000048  }
0xb3: {  	_ =	swait.ge [sflag:s29], $0x1  }
0xb4: {  	[sflag:s29] =	ssyncadd.s32 $0xFFFFFFFF  }
0xb5: {  	_ =	strace $0x90000048  }
0xb6: {  	_ =	sfence  }
0xb7: {  	s30 =	sld [smem:$0x0];
	_ =	sdelay $0x2  }
0xb8: {  	s31 =	sshll.u32 s1, $0xD;
	s1 =	sshrl.u32 s1, $0x2  }
0xb9: {  	s3 =	sand.u32 $0x4000, s31;
	s1 =	sadd.s32 s1, s30  }
0xba: {  	s0 =	sor.u32 s3, s0;
	s1 =	sshll.u32 s1, $0x11  }
0xbb: {  	s0 =	sor.u32 s1, s0  }
0xbc: {  	s0 =	sadd.s32 $0x8F2B, s0  }
0xbd: {  	[sflag:s0] =	ssyncadd.remote.s32 $0x1  }
0xbe: {  	_ =	sfence.sel $0xFFFF  }
0xbf: {  	[dreg:$0x0] =	wrdreg $0xFFFFFFFF;
	(pc) =	sbr.abs _section_cstart, $3  }
0xc0: {  	[dreg:$0x1] =	wrdreg $0xFFFFFFFF  }
0xc1: {  	_ =	task.clear_ibuf [dreg:s7], $0x2FFFF;
	_ =	strace $0x9FFFFFFF  }
0xc2: {  	(tm) =	ssettm $0x7FFFFFFF  }
0xc3: {  	_ =	shalt  }
tec
execute0_lowered:
.L_overlay_start_1:
0x0: {  	(tag) =	ssettag $0x1  }
0x1: {  	s0 =	srdreg.scid;
	s4 =	rddreg [dreg:$0x0]  }
0x2: {  	s12 =	stileid.u32;
	s5 =	rddreg [dreg:$0x1]  }
0x3: {  	s2 =	simm.s32 $0x0;
	s28 =	simm.s32 $0x2400;
	s30 =	simm.s32 $0x100  }
0x4: {  	s31 =	simm.s32 $0x4400;
	s13 =	simm.s32 $0x400;
	s14 =	simm.s32 $0x180  }
0x5: {  	s15 =	simm.s32 $0x6400;
	s16 =	simm.s32 $0x3;
	s17 =	simm.s32 $0x2  }
0x6: {  	s29 =	simm.s32 $0x0;
	s0 =	sand.u32 $0x1, s0;
	s6 =	smul.u32 $0x34000, s12  }
0x7: {  	s1 =	sshll.u32 s12, $0x1;
	[smem:$0x7FF] =	sst s2;
	s9 =	smul.u32 $0x1A0000, s12  }
0x8: {  	s3 =	sadd.s32 $0x194200, s4;
	s4 =	sadd.s32 $0x800, s4;
	s18 =	smul.u32 $0x6800, s12  }
0x9: {  	s12 =	simm.s32 $0x80;
	s1 =	sor.u32 s0, s1;
	s7 =	smul.u32 $0x1A000, s0  }
0xa: {  	_ =	strace $0x80000047;
	s11 =	smul.u32 $0xD0000, s0;
	[dreg:$0x5] =	wrdreg s28  }
0xb: {  	s8 =	ssub.s32 $0x2, s0;
	s0 =	smul.u32 $0x3400, s0;
	[dreg:$0x6] =	wrdreg s30  }
0xc: {  	[dreg:$0x7] =	wrdreg s31;
	s1 =	smul.u32 $0x680, s1;
	s10 =	sshrl.u32 s8, $0x1  }
0xd: {  	s20 =	sadd.s32 s6, s5;
	s8 =	ssub.s32 s8, s10;
	s22 =	sadd.s32 s11, s9  }
0xe: {  	s0 =	sadd.s32 s0, s18;
	s10 =	simm.s32 $0x200;
	s11 =	simm.s32 $0x1  }
0xf: {  	s18 =	simm.s32 $0x8400;
	s19 =	sadd.s32 s4, s1;
	s1 =	sadd.s32 s7, s20  }
0x10: {  	s6 =	sshrl.u32 s22, $0x3;
	s24 =	sadd.s32 $0x600, s0;
	s25 =	smax.u32 s8, $0x1  }
0x11: {  	s9 =	sadd.s32 $0x400, s0;
	s20 =	simm.s32 $0xA400;
	[dreg:$0x8] =	wrdreg s19  }
0x12: {  	s22 =	simm.s32 $0xC400;
	s21 =	sadd.s32 $0x40, s19;
	[dreg:$0xa] =	wrdreg s25  }
0x13: {  	s1 =	sadd.s32 $0x1000, s1;
	s23 =	sadd.s32 s6, s5;
	[dreg:$0x9] =	wrdreg s21  }
0x14: {  	s26 =	sshrl.u32 s24, $0x3;
	s19 =	simm.s32 $0x280;
	[dreg:$0x3] =	wrdreg s1  }
0x15: {  	s24 =	simm.s32 $0xE400;
	s25 =	simm.s32 $0x4;
	[dreg:$0x4] =	wrdreg s23  }
0x16: {  	s8 =	sadd.s32 s26, s4;
	s21 =	simm.s32 $0x300;
	s23 =	simm.s32 $0x380  }
.LBB2_1:
0x17: {  	s0 =	rddreg [dreg:$0x8];
	p0 =	por $0x1, $0x1  }
0x18: {  	[tilespmem:s2], [sflag:$0x1] =	stream.linear.gather [hbm4b:s0+s2], $0x200, $0x38;
	[tilespmem:$0x10400] =	vst v63  }
0x19: {  	s6 =	rddreg [dreg:$0x9];
	s0 =	simm.s32 @!p0 $0x5  }
0x1a: {  	[tilespmem:s10], [sflag:$0x2] =	stream.linear.gather [hbm4b:s6+s2], $0x200, $0x38;
	[tilespmem:$0x10400] =	vst v63  }
0x1b: {  	_ =	swait.ge @!p0 [sflag:s0], $0x8000  }
0x1c: {  	[sflag:s0] =	ssyncset.done @!p0 $0x0  }
0x1d: {  	[sflag:s0] =	ssyncadd.s32 @!p0 $0xFFFF8000  }
0x1e: {  	_ =	swait.ge [sflag:s11], $0x200  }
0x1f: {  	[sflag:s11] =	ssyncset.done $0x0  }
0x20: {  	s7 =	rddreg [dreg:$0x7];
	[sflag:s11] =	ssyncadd.s32 $0xFFFFFE00  }
0x21: {  	[tilespmem:s13], [sflag:$0x3] =	stream.indirect.gather [hbm4b:s3+s12], $0x40, s2, s12, $0xb8;
	[tilespmem:$0x10400] =	vst v63  }
0x22: {  	s1 =	rddreg [dreg:$0x5]  }
0x23: {  	[tilespmem:s1], [sflag:$0x3] =	stream.indirect.gather [hbm4b:s3+s12], $0x40, s12, s12, $0xb8;
	[tilespmem:$0x10400] =	vst v63  }
0x24: {  	s5 =	rddreg [dreg:$0x6]  }
0x25: {  	[tilespmem:s7], [sflag:$0x3] =	stream.indirect.gather [hbm4b:s3+s12], $0x40, s5, s12, $0xb8;
	[tilespmem:$0x10400] =	vst v63  }
0x26: {  	_ = 	snop  }
0x27: {  	[tilespmem:s15], [sflag:$0x3] =	stream.indirect.gather [hbm4b:s3+s12], $0x40, s14, s12, $0xb8;
	[tilespmem:$0x10400] =	vst v63  }
0x28: {  	_ =	swait.ge [sflag:s16], $0x2000  }
0x29: {  	[sflag:s16] =	ssyncset.done $0x0  }
0x2a: {  	[sflag:s16] =	ssyncadd.s32 $0xFFFFE000  }
0x2b: {  	_ =	swait.ge [sflag:s16], $0x2000  }
0x2c: {  	[sflag:s16] =	ssyncset.done $0x0  }
0x2d: {  	[sflag:s16] =	ssyncadd.s32 $0xFFFFE000  }
0x2e: {  	_ =	swait.ge [sflag:s16], $0x2000  }
0x2f: {  	[sflag:s16] =	ssyncset.done $0x0  }
0x30: {  	p1 =	por $0x0, $0x0;
	[sflag:s16] =	ssyncadd.s32 $0xFFFFE000  }
0x31: {  	s0 =	sshrl.u32 @!p1 s9, $0x3;
	_ =	swait.ge [sflag:s16], $0x2000  }
0x32: {  	s0 =	sadd.s32 @!p1 s4, s0;
	[sflag:s16] =	ssyncset.done $0x0  }
0x33: {  	s5 =	simm.s32 @!p1 $0x0;
	s26 =	rddreg [dreg:$0x4];
	[sflag:s16] =	ssyncadd.s32 $0xFFFFE000  }
0x34: {  	[tilespmem:s5], [sflag:$0x1] =	stream.linear.gather @!p1 [hbm4b:s0+s5], $0x200, $0x38;
	[tilespmem:$0x10400] =	vst v63  }
0x35: {  	s1 =	simm.s32 @!p0 $0x6;
	s28 =	sadd.s32 $0x0, s26  }
0x36: {  	[hbm4b:s28+s2] =	stream.linear.scatter [tilespmem:s13], [sflag:$0x5], $0x8000, $0x38;
	[tilespmem:$0x10400] =	vst v63  }
0x37: {  	_ =	swait.ge @!p0 [sflag:s1], $0x8000  }
0x38: {  	[sflag:s1] =	ssyncset.done @!p0 $0x0  }
0x39: {  	[sflag:s1] =	ssyncadd.s32 @!p0 $0xFFFF8000  }
0x3a: {  	_ =	swait.ge [sflag:s17], $0x200  }
0x3b: {  	[sflag:s17] =	ssyncset.done $0x0  }
0x3c: {  	[sflag:s17] =	ssyncadd.s32 $0xFFFFFE00  }
0x3d: {  	[tilespmem:s18], [sflag:$0x4] =	stream.indirect.gather [hbm4b:s3+s12], $0x40, s10, s12, $0xb8;
	[tilespmem:$0x10400] =	vst v63  }
0x3e: {  	_ = 	snop  }
0x3f: {  	[tilespmem:s20], [sflag:$0x4] =	stream.indirect.gather [hbm4b:s3+s12], $0x40, s19, s12, $0xb8;
	[tilespmem:$0x10400] =	vst v63  }
0x40: {  	_ = 	snop  }
0x41: {  	[tilespmem:s22], [sflag:$0x4] =	stream.indirect.gather [hbm4b:s3+s12], $0x40, s21, s12, $0xb8;
	[tilespmem:$0x10400] =	vst v63  }
0x42: {  	_ = 	snop  }
0x43: {  	[tilespmem:s24], [sflag:$0x4] =	stream.indirect.gather [hbm4b:s3+s12], $0x40, s23, s12, $0xb8;
	[tilespmem:$0x10400] =	vst v63  }
0x44: {  	_ =	swait.ge [sflag:s25], $0x2000  }
0x45: {  	[sflag:s25] =	ssyncset.done $0x0  }
0x46: {  	[sflag:s25] =	ssyncadd.s32 $0xFFFFE000  }
0x47: {  	_ =	swait.ge [sflag:s25], $0x2000  }
0x48: {  	[sflag:s25] =	ssyncset.done $0x0  }
0x49: {  	[sflag:s25] =	ssyncadd.s32 $0xFFFFE000  }
0x4a: {  	_ =	swait.ge [sflag:s25], $0x2000  }
0x4b: {  	[sflag:s25] =	ssyncset.done $0x0  }
0x4c: {  	[sflag:s25] =	ssyncadd.s32 $0xFFFFE000  }
0x4d: {  	s30 =	simm.s32 $0x2000;
	_ =	swait.ge [sflag:s25], $0x2000  }
0x4e: {  	s31 =	sadd.s32 $0x80, s8;
	s6 =	simm.s32 $0x0;
	[sflag:s25] =	ssyncset.done $0x0  }
0x4f: {  	s0 =	simm.s32 @!p1 $0x200;
	s1 =	sadd.s32 $0x400, s9;
	[sflag:s25] =	ssyncadd.s32 $0xFFFFE000  }
0x50: {  	[tilespmem:s0], [sflag:$0x2] =	stream.linear.gather @!p1 [hbm4b:s8+s5], $0x200, $0x38;
	[tilespmem:$0x10400] =	vst v63  }
0x51: {  	p0 =	por $0x0, $0x0;
	s7 =	rddreg [dreg:$0x3];
	s0 =	simm.s32 $0x4000  }
.LBB2_2:
0x52: {  	s26 =	simm.s32 @!p0 $0x5;
	s7 =	sadd.s32 s6, s7  }
0x53: {  	[hbm4b:s7+s2] =	stream.linear.scatter [tilespmem:s18], [sflag:$0x6], $0x8000, $0x38;
	[tilespmem:$0x10400] =	vst v63  }
0x54: {  	_ =	swait.ge @!p0 [sflag:s26], $0x8000  }
0x55: {  	[sflag:s26] =	ssyncset.done @!p0 $0x0  }
0x56: {  	[sflag:s26] =	ssyncadd.s32 @!p0 $0xFFFF8000  }
0x57: {  	_ =	swait.ge [sflag:s11], $0x200  }
0x58: {  	[sflag:s11] =	ssyncset.done $0x0  }
0x59: {  	s7 =	rddreg [dreg:$0x7];
	[sflag:s11] =	ssyncadd.s32 $0xFFFFFE00  }
0x5a: {  	[tilespmem:s13], [sflag:$0x3] =	stream.indirect.gather [hbm4b:s3+s12], $0x40, s2, s12, $0xb8;
	[tilespmem:$0x10400] =	vst v63  }
0x5b: {  	s26 =	rddreg [dreg:$0x5]  }
0x5c: {  	[tilespmem:s26], [sflag:$0x3] =	stream.indirect.gather [hbm4b:s3+s12], $0x40, s12, s12, $0xb8;
	[tilespmem:$0x10400] =	vst v63  }
0x5d: {  	s28 =	rddreg [dreg:$0x6]  }
0x5e: {  	[tilespmem:s7], [sflag:$0x3] =	stream.indirect.gather [hbm4b:s3+s12], $0x40, s28, s12, $0xb8;
	[tilespmem:$0x10400] =	vst v63  }
0x5f: {  	_ = 	snop  }
0x60: {  	[tilespmem:s15], [sflag:$0x3] =	stream.indirect.gather [hbm4b:s3+s12], $0x40, s14, s12, $0xb8;
	[tilespmem:$0x10400] =	vst v63  }
0x61: {  	_ =	swait.ge [sflag:s16], $0x2000  }
0x62: {  	[sflag:s16] =	ssyncset.done $0x0  }
0x63: {  	[sflag:s16] =	ssyncadd.s32 $0xFFFFE000  }
0x64: {  	_ =	swait.ge [sflag:s16], $0x2000  }
0x65: {  	[sflag:s16] =	ssyncset.done $0x0  }
0x66: {  	[sflag:s16] =	ssyncadd.s32 $0xFFFFE000  }
0x67: {  	_ =	swait.ge [sflag:s16], $0x2000  }
0x68: {  	[sflag:s16] =	ssyncset.done $0x0  }
0x69: {  	s6 =	smov.u32 s30;
	[sflag:s16] =	ssyncadd.s32 $0xFFFFE000  }
0x6a: {  	p2 =	seq.s32 s6, $0x18000;
	_ =	swait.ge [sflag:s16], $0x2000  }
0x6b: {  	s7 =	sshrl.u32 @!p2 s1, $0x3;
	s28 =	simm.s32 @!p2 $0x0;
	[sflag:s16] =	ssyncset.done $0x0  }
0x6c: {  	s7 =	sadd.s32 @!p2 s4, s7;
	s26 =	rddreg [dreg:$0x4];
	[sflag:s16] =	ssyncadd.s32 $0xFFFFE000  }
0x6d: {  	[tilespmem:s28], [sflag:$0x1] =	stream.linear.gather @!p2 [hbm4b:s7+s28], $0x200, $0x38;
	[tilespmem:$0x10400] =	vst v63  }
0x6e: {  	s7 =	sadd.s32 s6, s26;
	s26 =	simm.s32 @!p0 $0x6  }
0x6f: {  	[hbm4b:s7+s2] =	stream.linear.scatter [tilespmem:s13], [sflag:$0x5], $0x8000, $0x38;
	[tilespmem:$0x10400] =	vst v63  }
0x70: {  	_ =	swait.ge @!p0 [sflag:s26], $0x8000  }
0x71: {  	[sflag:s26] =	ssyncset.done @!p0 $0x0  }
0x72: {  	[sflag:s26] =	ssyncadd.s32 @!p0 $0xFFFF8000  }
0x73: {  	_ =	swait.ge [sflag:s17], $0x200  }
0x74: {  	[sflag:s17] =	ssyncset.done $0x0  }
0x75: {  	[sflag:s17] =	ssyncadd.s32 $0xFFFFFE00  }
0x76: {  	[tilespmem:s18], [sflag:$0x4] =	stream.indirect.gather [hbm4b:s3+s12], $0x40, s10, s12, $0xb8;
	[tilespmem:$0x10400] =	vst v63  }
0x77: {  	_ = 	snop  }
0x78: {  	[tilespmem:s20], [sflag:$0x4] =	stream.indirect.gather [hbm4b:s3+s12], $0x40, s19, s12, $0xb8;
	[tilespmem:$0x10400] =	vst v63  }
0x79: {  	_ = 	snop  }
0x7a: {  	[tilespmem:s22], [sflag:$0x4] =	stream.indirect.gather [hbm4b:s3+s12], $0x40, s21, s12, $0xb8;
	[tilespmem:$0x10400] =	vst v63  }
0x7b: {  	_ = 	snop  }
0x7c: {  	[tilespmem:s24], [sflag:$0x4] =	stream.indirect.gather [hbm4b:s3+s12], $0x40, s23, s12, $0xb8;
	[tilespmem:$0x10400] =	vst v63  }
0x7d: {  	_ =	swait.ge [sflag:s25], $0x2000  }
0x7e: {  	[sflag:s25] =	ssyncset.done $0x0  }
0x7f: {  	[sflag:s25] =	ssyncadd.s32 $0xFFFFE000  }
0x80: {  	_ =	swait.ge [sflag:s25], $0x2000  }
0x81: {  	[sflag:s25] =	ssyncset.done $0x0  }
0x82: {  	[sflag:s25] =	ssyncadd.s32 $0xFFFFE000  }
0x83: {  	s30 =	smov.u32 s0;
	s0 =	sadd.s32 $0x2000, s0;
	_ =	swait.ge [sflag:s25], $0x2000  }
0x84: {  	p1 =	sne.s32 s0, $0x1A000;
	[sflag:s25] =	ssyncset.done $0x0  }
.Ltmp0:
0x85: {  	[sflag:s25] =	ssyncadd.s32 $0xFFFFE000;
	(pc) =	sbr.rel @p1 .LBB2_2-.Ltmp0, $4  }
0x86: {  	s5 =	smov.u32 s31;
	s31 =	sadd.s32 $0x80, s31;
	_ =	swait.ge [sflag:s25], $0x2000  }
0x87: {  	s1 =	sadd.s32 $0x400, s1;
	p0 =	seq.s32 s30, $0x0;
	[sflag:s25] =	ssyncset.done $0x0  }
0x88: {  	s26 =	simm.s32 @!p2 $0x200;
	s7 =	rddreg [dreg:$0x3];
	[sflag:s25] =	ssyncadd.s32 $0xFFFFE000  }
0x89: {  	[tilespmem:s26], [sflag:$0x2] =	stream.linear.gather @!p2 [hbm4b:s5+s28], $0x200, $0x38;
	[tilespmem:$0x10400] =	vst v63  }
0x8a: {  	s0 =	simm.s32 @!p0 $0x5;
	s5 =	sadd.s32 s6, s7  }
0x8b: {  	[hbm4b:s5+s2] =	stream.linear.scatter [tilespmem:s18], [sflag:$0x6], $0x8000, $0x38;
	[tilespmem:$0x10400] =	vst v63  }
0x8c: {  	_ =	swait.ge @!p0 [sflag:s0], $0x8000  }
0x8d: {  	[sflag:s0] =	ssyncset.done @!p0 $0x0  }
0x8e: {  	[sflag:s0] =	ssyncadd.s32 @!p0 $0xFFFF8000  }
0x8f: {  	_ =	swait.ge [sflag:s11], $0x200  }
0x90: {  	[sflag:s11] =	ssyncset.done $0x0  }
0x91: {  	s7 =	rddreg [dreg:$0x7];
	[sflag:s11] =	ssyncadd.s32 $0xFFFFFE00  }
0x92: {  	[tilespmem:s13], [sflag:$0x3] =	stream.indirect.gather [hbm4b:s3+s12], $0x40, s2, s12, $0xb8;
	[tilespmem:$0x10400] =	vst v63  }
0x93: {  	s26 =	rddreg [dreg:$0x5]  }
0x94: {  	[tilespmem:s26], [sflag:$0x3] =	stream.indirect.gather [hbm4b:s3+s12], $0x40, s12, s12, $0xb8;
	[tilespmem:$0x10400] =	vst v63  }
0x95: {  	s28 =	rddreg [dreg:$0x6]  }
0x96: {  	[tilespmem:s7], [sflag:$0x3] =	stream.indirect.gather [hbm4b:s3+s12], $0x40, s28, s12, $0xb8;
	[tilespmem:$0x10400] =	vst v63  }
0x97: {  	_ = 	snop  }
0x98: {  	[tilespmem:s15], [sflag:$0x3] =	stream.indirect.gather [hbm4b:s3+s12], $0x40, s14, s12, $0xb8;
	[tilespmem:$0x10400] =	vst v63  }
0x99: {  	_ =	swait.ge [sflag:s16], $0x2000  }
0x9a: {  	[sflag:s16] =	ssyncset.done $0x0  }
0x9b: {  	[sflag:s16] =	ssyncadd.s32 $0xFFFFE000  }
0x9c: {  	_ =	swait.ge [sflag:s16], $0x2000  }
0x9d: {  	[sflag:s16] =	ssyncset.done $0x0  }
0x9e: {  	[sflag:s16] =	ssyncadd.s32 $0xFFFFE000  }
0x9f: {  	_ =	swait.ge [sflag:s16], $0x2000  }
0xa0: {  	[sflag:s16] =	ssyncset.done $0x0  }
0xa1: {  	[sflag:s16] =	ssyncadd.s32 $0xFFFFE000  }
0xa2: {  	p1 =	seq.s32 s30, $0x18000;
	_ =	swait.ge [sflag:s16], $0x2000  }
0xa3: {  	s5 =	simm.s32 @!p1 $0x0;
	s0 =	sshrl.u32 @!p1 s1, $0x3;
	[sflag:s16] =	ssyncset.done $0x0  }
0xa4: {  	s0 =	sadd.s32 @!p1 s4, s0;
	s6 =	rddreg [dreg:$0x4];
	[sflag:s16] =	ssyncadd.s32 $0xFFFFE000  }
0xa5: {  	[tilespmem:s5], [sflag:$0x1] =	stream.linear.gather @!p1 [hbm4b:s0+s5], $0x200, $0x38;
	[tilespmem:$0x10400] =	vst v63  }
0xa6: {  	s1 =	simm.s32 @!p0 $0x6;
	s7 =	sadd.s32 s30, s6  }
0xa7: {  	[hbm4b:s7+s2] =	stream.linear.scatter [tilespmem:s13], [sflag:$0x5], $0x8000, $0x38;
	[tilespmem:$0x10400] =	vst v63  }
0xa8: {  	_ =	swait.ge @!p0 [sflag:s1], $0x8000  }
0xa9: {  	[sflag:s1] =	ssyncset.done @!p0 $0x0  }
0xaa: {  	[sflag:s1] =	ssyncadd.s32 @!p0 $0xFFFF8000  }
0xab: {  	_ =	swait.ge [sflag:s17], $0x200  }
0xac: {  	[sflag:s17] =	ssyncset.done $0x0  }
0xad: {  	[sflag:s17] =	ssyncadd.s32 $0xFFFFFE00  }
0xae: {  	[tilespmem:s18], [sflag:$0x4] =	stream.indirect.gather [hbm4b:s3+s12], $0x40, s10, s12, $0xb8;
	[tilespmem:$0x10400] =	vst v63  }
0xaf: {  	_ = 	snop  }
0xb0: {  	[tilespmem:s20], [sflag:$0x4] =	stream.indirect.gather [hbm4b:s3+s12], $0x40, s19, s12, $0xb8;
	[tilespmem:$0x10400] =	vst v63  }
0xb1: {  	_ = 	snop  }
0xb2: {  	[tilespmem:s22], [sflag:$0x4] =	stream.indirect.gather [hbm4b:s3+s12], $0x40, s21, s12, $0xb8;
	[tilespmem:$0x10400] =	vst v63  }
0xb3: {  	_ = 	snop  }
0xb4: {  	[tilespmem:s24], [sflag:$0x4] =	stream.indirect.gather [hbm4b:s3+s12], $0x40, s23, s12, $0xb8;
	[tilespmem:$0x10400] =	vst v63  }
0xb5: {  	_ =	swait.ge [sflag:s25], $0x2000  }
0xb6: {  	[sflag:s25] =	ssyncset.done $0x0  }
0xb7: {  	[sflag:s25] =	ssyncadd.s32 $0xFFFFE000  }
0xb8: {  	_ =	swait.ge [sflag:s25], $0x2000  }
0xb9: {  	[sflag:s25] =	ssyncset.done $0x0  }
0xba: {  	[sflag:s25] =	ssyncadd.s32 $0xFFFFE000  }
0xbb: {  	_ =	swait.ge [sflag:s25], $0x2000  }
0xbc: {  	[sflag:s25] =	ssyncset.done $0x0  }
0xbd: {  	[sflag:s25] =	ssyncadd.s32 $0xFFFFE000  }
0xbe: {  	_ =	swait.ge [sflag:s25], $0x2000  }
0xbf: {  	[sflag:s25] =	ssyncset.done $0x0  }
0xc0: {  	s1 =	simm.s32 @!p1 $0x200;
	s26 =	rddreg [dreg:$0x3];
	[sflag:s25] =	ssyncadd.s32 $0xFFFFE000  }
0xc1: {  	[tilespmem:s1], [sflag:$0x2] =	stream.linear.gather @!p1 [hbm4b:s31+s5], $0x200, $0x38;
	[tilespmem:$0x10400] =	vst v63  }
0xc2: {  	s28 =	simm.s32 $0x5;
	s0 =	sadd.s32 s30, s26  }
0xc3: {  	[hbm4b:s0+s2] =	stream.linear.scatter [tilespmem:s18], [sflag:$0x6], $0x8000, $0x38;
	[tilespmem:$0x10400] =	vst v63  }
0xc4: {  	_ =	swait.ge [sflag:s28], $0x8000  }
0xc5: {  	[sflag:s28] =	ssyncset.done $0x0  }
0xc6: {  	s30 =	simm.s32 $0x6;
	[sflag:s28] =	ssyncadd.s32 $0xFFFF8000  }
0xc7: {  	_ =	swait.ge [sflag:s30], $0x8000  }
0xc8: {  	s29 =	sadd.s32 $0x1, s29;
	s31 =	rddreg [dreg:$0xa]  }
0xc9: {  	p0 =	sne.s32 s29, s31  }
.Ltmp1:
0xca: {  	_ = 	snop;
	(pc) =	sbr.rel @p0 .LBB2_1-.Ltmp1, $3  }
0xcb: {  	_ =	sdelay $0x1  }
0xcc: {  	[sflag:s30] =	ssyncset.done $0x0  }
0xcd: {  	[sflag:s30] =	ssyncadd.s32 $0xFFFF8000  }
0xce: {  	_ =	sfence.sel $0x180000  }
0xcf: {  	[bflag:$0x0] =	sbarrier.arrive $0xFFFF  }
0xd0: {  	_ =	strace $0x90000047  }
0xd1: {  	s0 =	stileid.u32;
	[bflag:$0x2] =	sbarrier.arrive $0xFFFF  }
0xd2: {  	p0 =	sne.s32 s0, $0x0;
	s0 =	rddreg [dreg:$0x2]  }
0xd3: {  	s0 =	sadd.s32 @!p0 $0x100000, s0  }
0xd4: {  	[sflag:s0] =	ssyncadd.tile.s32 @!p0 $0x1;
	_ =	shalt  }
.Lfunc_end2:
_tile_overlayer_lowered:
.L_overlay_start_2:
0xd5: {  	(tag) =	ssettag $0x2  }
0xd6: {  	s0 =	rddreg [dreg:$0x0];
	s2 =	stileid.u32  }
0xd7: {  	s1 =	rddreg [dreg:$0x1];
	p0 =	sne.s32 s2, $0x0  }
0xd8: {  	s3 =	rddreg [dreg:$0x2];
	[bflag:$0x3] =	sbarrier.arrive $0xFFFF;
	s2 =	simm.s32 @!p0 $0x1C07  }
0xd9: {  	[timem:s3], [sflag:s2] =	dma.local @!p0 [hbm:s0], s1  }
0xda: {  	s0 =	simm.s32 @!p0 $0x7  }
0xdb: {  	_ =	swait.ge @!p0 [sflag:s0], s1  }
0xdc: {  	s1 =	ssub.s32 @!p0 $0x0, s1;
	[sflag:s0] =	ssyncset.done @!p0 $0x0  }
0xdd: {  	[sflag:s0] =	ssyncadd.s32 @!p0 s1  }
0xde: {  	[bflag:$0x3] =	sbarrier.arrive $0xFFFF  }
0xdf: {  	_ =	shalt  }

// kernel: sparse-core-data-format-call.cloned.1.call-start
scs
called_computation_lowered:
.L_overlay_start_0:
0x0: {  	s2 =	sld [smem:$0x3FD9]  }
0x1: {  	s3 =	sld [smem:$0x3FFE];
	_ =	sdelay $0x1  }
0x2: {  	s1 =	srdreg.scid  }
0x3: {  	s0 =	sand.u32 $0x1, s1  }
0x4: {  	s18 =	sshll.u32 s0, $0xA;
	s2 =	sadd.s32 s3, s2  }
0x5: {  	s2 =	sadd.s32 s2, s18  }
0x6: {  	[smem:$0x3FC6] =	sst s2  }
0x7: {  	_ = 	snop  }
0x8: {  	s2 =	sld [smem:$0x3FD0];
	(tm) =	ssettm $0x1  }
0x9: {  	s19 =	sld [smem:$0x3FFB];
	_ =	sdelay $0x3  }
0xa: {  	_ =	strace s19  }
0xb: {  	s3 =	sld [smem:$0x3FFC];
	_ =	sdelay $0x3  }
0xc: {  	_ =	strace s3  }
0xd: {  	s3 =	sld [smem:$0x3FFD];
	_ =	sdelay $0x3  }
0xe: {  	_ =	strace s3  }
0xf: {  	_ =	strace $0x8FFFFFFF  }
0x10: {  	s20 =	sld [smem:$0x3FDB];
	_ =	sdelay $0x1  }
0x11: {  	s4 =	simm.s32 $_scs_section_size  }
0x12: {  	s5 =	simm.s32 $_size__tile_overlayer_lowered;
	s6 =	simm.s32 $_tile_overlayer_lowered  }
0x13: {  	s23 =	simm.s32 $0x1BFF;
	s22 =	sshll.u32 s6, $0x1;
	s3 =	sadd.s32 s4, s20  }
0x14: {  	s7 =	simm.s32 $0x0;
	s21 =	sshll.u32 s5, $0x1;
	s5 =	sadd.s32 s22, s3  }
0x15: {  	[timem:s7], [sflag:s23] =	dma.local [hbm:s5], s21  }
0x16: {  	_ =	swait.ge [sflag:s23], s21  }
0x17: {  	s4 =	ssub.s32 $0x0, s21;
	[sflag:s23] =	ssyncset.done $0x0  }
0x18: {  	[sflag:s23] =	ssyncadd.s32 s4;
	_ =	sdelay $0x1  }
0x19: {  	s24 =	simm.s32 $0x1B8B  }
0x1a: {  	_ =	swait.ge [sflag:s24], $0x1  }
0x1b: {  	[sflag:s24] =	ssyncset.done $0x0  }
0x1c: {  	s26 =	simm.s32 $0x1B8E;
	s25 =	sld [smem:$0x3FFE];
	[sflag:s24] =	ssyncadd.s32 $0xFFFFFFFF  }
0x1d: {  	s27 =	simm.s32 $execute0_lowered;
	[smem:$0x3FD2] =	sst s26  }
0x1e: {  	s5 =	sshll.u32 s27, $0x1;
	_ =	strace $0x80000049;
	[dreg:$0x1] =	wrdreg $0xFFFFFFFF  }
0x1f: {  	s28 =	simm.s32 $_size_execute0_lowered;
	s3 =	sadd.s32 s3, s5;
	[dreg:$0x0] =	wrdreg $0x0  }
0x20: {  	s5 =	sshll.u32 s28, $0x1;
	[dreg:$0x2] =	wrdreg s3  }
0x21: {  	[dreg:$0x3] =	wrdreg s5  }
0x22: {  	[dreg:$0x4] =	wrdreg $0xC0  }
0x23: {  	_ =	task [dreg:s7], $0x5FFFF  }
0x24: {  	[dreg:$0x1] =	wrdreg $0xFFFFFFFF  }
0x25: {  	[dreg:$0x0] =	wrdreg $0x60  }
0x26: {  	[dreg:$0x2] =	wrdreg s25  }
0x27: {  	[dreg:$0x3] =	wrdreg s2  }
0x28: {  	[dreg:$0x4] =	wrdreg $0x9  }
0x29: {  	_ =	task.clear_ibuf [dreg:s7], $0x5FFFF;
	_ =	strace $0x90000049  }
0x2a: {  	s29 =	simm.s32 $0x9;
	_ =	strace $0x8000004B  }
0x2b: {  	_ =	swait.ge [sflag:s29], $0x1  }
0x2c: {  	[sflag:s29] =	ssyncadd.s32 $0xFFFFFFFF  }
0x2d: {  	_ =	strace $0x9000004B  }
0x2e: {  	_ =	sfence  }
0x2f: {  	s30 =	sld [smem:$0x0];
	_ =	sdelay $0x2  }
0x30: {  	s31 =	sshll.u32 s1, $0xD;
	s1 =	sshrl.u32 s1, $0x2  }
0x31: {  	s3 =	sand.u32 $0x4000, s31;
	s1 =	sadd.s32 s1, s30  }
0x32: {  	s0 =	sor.u32 s3, s0;
	s1 =	sshll.u32 s1, $0x11  }
0x33: {  	s0 =	sor.u32 s1, s0  }
0x34: {  	s0 =	sadd.s32 $0x8F2B, s0  }
0x35: {  	[sflag:s0] =	ssyncadd.remote.s32 $0x1  }
0x36: {  	_ =	sfence.sel $0xFFFF  }
0x37: {  	[dreg:$0x0] =	wrdreg $0xFFFFFFFF;
	(pc) =	sbr.abs _section_cstart, $3  }
0x38: {  	[dreg:$0x1] =	wrdreg $0xFFFFFFFF  }
0x39: {  	_ =	task.clear_ibuf [dreg:s7], $0x2FFFF;
	_ =	strace $0x9FFFFFFF  }
0x3a: {  	(tm) =	ssettm $0x7FFFFFFF  }
0x3b: {  	_ =	shalt  }
tec
execute0_lowered:
.L_overlay_start_1:
0x0: {  	(tag) =	ssettag $0x1  }
0x1: {  	s0 =	srdreg.scid  }
0x2: {  	s1 =	sshll.u32 s0, $0x4  }
0x3: {  	s0 =	stileid.u32;
	s1 =	sand.u32 $0x10, s1  }
0x4: {  	s1 =	sor.u32 s0, s1  }
0x5: {  	s6 =	rddreg [dreg:$0x0];
	s4 =	simm.s32 $0x1;
	s2 =	sshll.u32 s1, $0x7  }
0x6: {  	s7 =	simm.s32 $0x2;
	s12 =	simm.s32 $0x0;
	s1 =	ssub.s32 $0x4000, s2  }
0x7: {  	s8 =	simm.s32 $0x20000;
	s13 =	simm.s32 $0x0;
	s3 =	sand.u32 $0xF80, s1  }
0x8: {  	s9 =	simm.s32 $0x0;
	s5 =	sshrl.u32 s1, $0xC;
	p0 =	sne.s32 s3, $0x0  }
.Ltmp0:
0x9: {  	s1 =	rddreg [dreg:$0x2];
	s4 =	simm.s32 @!p0 $0x0;
	(pc) =	sbr.rel .LBB1_1-.Ltmp0, $4  }
0xa: {  	s11 =	simm.s32 $0x0;
	s3 =	rddreg [dreg:$0x1];
	s5 =	sadd.s32 s4, s5  }
0xb: {  	_ =	strace $0x8000004A;
	s4 =	simm.s32 $0x1;
	s5 =	smul.u32 $0x1A, s5  }
0xc: {  	s6 =	sadd.s32 $0x800, s6;
	s10 =	smov.u32 s2;
	[sflag:s4] =	ssyncpa.u1 $0x0  }
0xd: {  	p0 =	por $0x0, $0x0;
	[sflag:s7] =	ssyncpa.u1 $0x0;
	s7 =	sor.u32 $0x1, s5  }
.LBB1_4:
0xe: {  	s16 =	sshll.u32 s13, $0x3;
	s17 =	sand.u32 $0x78, s13  }
0xf: {  	s30 =	sand.u32 $0x1F800, s13;
	s12 =	sshll.u32 s12, $0x11;
	s16 =	sand.u32 $0x3C00, s16  }
0x10: {  	[tilespmem:s15+$0x810 ss:$0x81] =	vst.msk $0xffff, v2;
	s31 =	sand.u32 $0x7, s13;
	s16 =	sor.u32 s17, s16;
	s17 =	sadd.s32 s3, s30  }
0x11: {  	[tilespmem:s15+$0x1020 ss:$0x81] =	vst.msk $0xffff, v0;
	s13 =	sshll.u32 s31, $0x12;
	s12 =	sadd.s32 s12, s17;
	s16 =	sshrl.u32 s16, $0x3  }
0x12: {  	[tilespmem:s15+$0x0 ss:$0x81] =	vst.msk $0xffff, v1;
	s13 =	sor.u32 $0x400, s13;
	s12 =	sadd.s32 s16, s12  }
0x13: {  	[hbm4b:s12+s13] =	stream.strided.scatter [tilespmem:s14], [sflag:$0x2], $0x2000, s8, s13, $0x20;
	[tilespmem:$0x8080] =	vst v63  }
.LBB1_5:
0x14: {  	s14 =	sadd.s32 $0x1, s9  }
0x15: {  	s12 =	sadd.s32 $0x1000, s10;
	s16 =	smov.u32 s10;
	p2 =	sgt.s32 s14, $0x19  }
0x16: {  	s16 =	smov.u32 @p2 s12  }
0x17: {  	s14 =	simm.s32 @p2 $0x0;
	p2 =	sgt.s32 s16, $0x3FFF  }
0x18: {  	s16 =	smov.u32 @p2 s2;
	p2 =	sne.s32 s11, s7  }
.Ltmp1:
0x19: {  	p1 =	slt.u32 s11, $0x2;
	(pc) =	sbr.rel @!p2 .LBB1_6-.Ltmp1, $4  }
0x1a: {  	s15 =	simm.s32 @!p1 $0x2  }
0x1b: {  	s13 =	smov.u32 s10;
	p0 =	por !p0, !p0;
	_ =	swait.ge @!p1 [sflag:s15], $0x2000  }
0x1c: {  	s12 =	smov.u32 s9;
	[sflag:s15] =	ssyncset.done @!p1 $0x0;
	s9 =	smov.u32 s14  }
0x1d: {  	s11 =	sadd.s32 $0x1, s11;
	[sflag:s15] =	ssyncadd.s32 @!p1 $0xFFFFE000;
	s10 =	smov.u32 s16  }
.LBB1_1:
0x1e: {  	p1 =	sge.u32 s11, s5  }
0x1f: {  	s31 =	sadd.s32 $0xFFFFFFFF, s11;
	s14 =	sxor.u32 @!p1 $0xFFFFFFFF, s11  }
0x20: {  	s15 =	sshll.u32 @!p1 s10, $0x9;
	s16 =	sshll.u32 @!p1 s9, $0x4;
	s17 =	simm.s32 @!p1 $0x1000  }
0x21: {  	s14 =	sshll.u32 @!p1 s14, $0xD;
	s16 =	sand.u32 @!p1 $0x1F0, s16;
	s15 =	sadd.s32 @!p1 s6, s15  }
0x22: {  	s14 =	sand.u32 @!p1 $0x2000, s14;
	s15 =	sadd.s32 @!p1 s16, s15;
	s16 =	simm.s32 @!p1 $0x40  }
0x23: {  	[tilespmem:s14], [sflag:$0x1] =	stream.strided.gather @!p1 [hbm4b:s15+s16], $0x2000, s17, s16, $0x38;
	[tilespmem:$0x8080] =	vst v63  }
0x24: {  	p1 =	sge.u32 s31, s5  }
.Ltmp2:
0x25: {  	_ = 	snop;
	(pc) =	sbr.rel @p1 .LBB1_5-.Ltmp2, $1  }
0x26: {  	_ =	sdelay $0x3  }
0x27: {  	s14 =	simm.s32 $0x1  }
0x28: {  	_ =	swait.ge [sflag:s4], $0x2000;
	s14 =	simm.s32 @!p0 $0x0  }
0x29: {  	[sflag:s4] =	ssyncset.done $0x0;
	s15 =	sshll.u32 s14, $0xD  }
0x2a: {  	[sflag:s4] =	ssyncadd.s32 $0xFFFFE000;
	s18 =	sor.u32 $0x20, s15  }
0x2b: {  	s14 =	smul.u32 $0x8100, s14;
	v3 =	vld [tilespmem:s18+$0x10]  }
0x2c: {  	s30 =	sand.u32 $0x1, s11;
	v2 =	vld [tilespmem:s18+$0xFFFFFFF0]  }
0x2d: {  	s15 =	smul.u32 $0x8100, s30;
	s14 =	sshrl.u32 s14, $0x2;
	v0 =	vld [tilespmem:s18+$0x0]  }
0x2e: {  	v1 =	vld [tilespmem:s18+$0xFFFFFFE0];
	s16 =	sor.u32 $0x4000, s14  }
0x2f: {  	s31 =	sshrl.u32 s15, $0x2;
	s15 =	sadd.s32 $0x0, s16  }
0x30: {  	s17 =	simm.s32 $0x4;
	s18 =	sadd.s32 $0x40, s18;
	s14 =	sor.u32 $0x4000, s31;
	[tilespmem:s15+$0x1830 ss:$0x81] =	vst.msk $0xffff, v3  }
.LBB1_3:
0x31: {  	v3 =	vld [tilespmem:s18+$0x10];
	p1 =	sne.s32 s17, $0x1FC;
	[tilespmem:s15+$0x810 ss:$0x81] =	vst.msk $0xffff, v2;
	s19 =	smov.u32 s17;
	s17 =	sadd.s32 $0x4, s17  }
.Ltmp3:
0x32: {  	v2 =	vld [tilespmem:s18+$0xFFFFFFF0];
	[tilespmem:s15+$0x1020 ss:$0x81] =	vst.msk $0xffff, v0;
	(pc) =	sbr.rel @p1 .LBB1_3-.Ltmp3, $4  }
0x33: {  	v0 =	vld [tilespmem:s18+$0x0];
	[tilespmem:s15+$0x0 ss:$0x81] =	vst.msk $0xffff, v1  }
0x34: {  	s15 =	sshra.s32 s19, $0x2;
	v1 =	vld [tilespmem:s18+$0xFFFFFFE0]  }
0x35: {  	s15 =	sadd.s32 s15, s16  }
0x36: {  	s18 =	sadd.s32 $0x40, s18;
	[tilespmem:s15+$0x1830 ss:$0x81] =	vst.msk $0xffff, v3  }
.Ltmp4:
0x37: {  	_ = 	snop;
	(pc) =	sbr.rel .LBB1_4-.Ltmp4, $1  }
0x38: {  	_ =	sdelay $0x3  }
.LBB1_6:
0x39: {  	_ =	sfence.sel $0x180000  }
0x3a: {  	s2 =	simm.s32 $0x1;
	[bflag:$0x0] =	sbarrier.arrive $0xFFFF  }
0x3b: {  	s31 =	simm.s32 $0x2;
	[sflag:s2] =	ssyncpa.u1 $0x1  }
0x3c: {  	[sflag:s31] =	ssyncpa.u1 $0x1  }
0x3d: {  	p0 =	sne.s32 s0, $0x0;
	_ =	strace $0x9000004A  }
0x3e: {  	s0 =	sadd.s32 @!p0 $0x100000, s1;
	[bflag:$0x2] =	sbarrier.arrive $0xFFFF  }
0x3f: {  	[sflag:s0] =	ssyncadd.tile.s32 @!p0 $0x1;
	_ =	shalt  }
.Lfunc_end1:
_tile_overlayer_lowered:
.L_overlay_start_2:
0x40: {  	(tag) =	ssettag $0x2  }
0x41: {  	s0 =	rddreg [dreg:$0x0];
	s2 =	stileid.u32  }
0x42: {  	s1 =	rddreg [dreg:$0x1];
	p0 =	sne.s32 s2, $0x0  }
0x43: {  	s3 =	rddreg [dreg:$0x2];
	[bflag:$0x3] =	sbarrier.arrive $0xFFFF;
	s2 =	simm.s32 @!p0 $0x1C01  }
0x44: {  	[timem:s3], [sflag:s2] =	dma.local @!p0 [hbm:s0], s1  }
0x45: {  	s0 =	simm.s32 @!p0 $0x1  }
0x46: {  	_ =	swait.ge @!p0 [sflag:s0], s1  }
0x47: {  	s1 =	ssub.s32 @!p0 $0x0, s1;
	[sflag:s0] =	ssyncset.done @!p0 $0x0  }
0x48: {  	[sflag:s0] =	ssyncadd.s32 @!p0 s1  }
0x49: {  	[bflag:$0x3] =	sbarrier.arrive $0xFFFF  }
0x4a: {  	_ =	shalt  }

</sc_bundles>
